<compile_context>
chip_gen: v7x
topology: tpu7x:2x2x1
jax: 0.10.2.dev20260603
libtpu: 0.0.44.dev20260713+nightly
codegen_flags: <defaults>
</compile_context>

<pallas_src>
import jax
import jax.numpy as jnp
from jax import lax
from jax.experimental import pallas as pl
from jax.experimental.pallas import tpu as pltpu
from jax.experimental.pallas import tpu_sc as plsc

NMERS = 6
HID = 768
LAB = 16
B = 16
S = 512
P = S + NMERS - 1

NC = 2
NS = 16
WPR = (NC * NS) // B
CHUNK = 264
PPAD = WPR * CHUNK


TCROWS = 8


def _proj_kernel(emb_ref, wt_ref, out_ref):
    e = emb_ref[...].reshape(TCROWS * S, HID)
    out_ref[...] = jnp.dot(e, wt_ref[:], preferred_element_type=jnp.float32
                           ).reshape(TCROWS, S, LAB)


def _sc_unfold(proj_hbm, mask_hbm, b_hbm, out_hbm,
               prow_v, mrow_v, obuf_v, bvec_v, sem_p, sem_m, sem_b):
    c = lax.axis_index("c")
    s = lax.axis_index("s")
    wid = s * NC + c
    row = wid // WPR
    part = wid % WPR
    qlo = part * CHUNK
    qhi = qlo + CHUNK

    cp_p = pltpu.async_copy(proj_hbm.at[row], prow_v, sem_p)
    cp_m = pltpu.async_copy(mask_hbm.at[row], mrow_v, sem_m)
    cp_b = pltpu.async_copy(b_hbm, bvec_v, sem_b)
    cp_m.wait()

    def _msum(k, acc):
        return acc + mrow_v[pl.ds(k * LAB, LAB)]

    macc = lax.fori_loop(0, S // LAB, _msum, jnp.zeros((LAB,), jnp.int32),
                         unroll=8)
    L = macc[0]
    for k in range(1, LAB):
        L = L + macc[k]
    nc = jnp.maximum(L - 2, 1)

    def clampq(x):
        return jnp.clip(x, qlo, qhi)

    def pm(i):
        ii = jnp.clip(i, 0, S - 1)
        f = jnp.where((i >= 1) & (i <= nc), 1.0, 0.0).astype(jnp.float32)
        return prow_v[ii] * f

    def _general(q, acc):
        acc = acc + pm(q)
        lo = jnp.maximum(1, q - 5)
        hi = jnp.minimum(nc, q)
        den = jnp.maximum(hi - lo + 1, 1)
        rcp = jnp.float32(1.0)
        for d in range(2, NMERS + 1):
            rcp = jnp.where(den == d, jnp.float32(1.0 / d), rcp)
        obuf_v[q - qlo] = acc * rcp + bvec
        return acc - pm(q - 5)

    def _fast(q, acc):
        acc = acc + prow_v[q]
        obuf_v[q - qlo] = acc * jnp.float32(1.0 / NMERS) + bvec
        return acc - prow_v[q - 5]

    def _fill(q, acc):
        obuf_v[q - qlo] = bvec
        return acc

    head_end = clampq(NMERS)
    mid_end = clampq(nc + 1)
    edge_lo = clampq(jnp.maximum(NMERS, nc + 1))
    edge_hi = clampq(nc + NMERS)
    fill_lo = clampq(nc + NMERS)

    cp_p.wait()
    cp_b.wait()
    bvec = bvec_v[...]

    acc0 = jnp.zeros((LAB,), jnp.float32)
    for k in range(5):
        acc0 = acc0 + pm(qlo - 5 + k)

    acc0 = lax.fori_loop(qlo, head_end, _general, acc0)
    acc0 = lax.fori_loop(head_end, mid_end, _fast, acc0)
    acc0 = lax.fori_loop(edge_lo, edge_hi, _general, acc0)
    lax.fori_loop(fill_lo, qhi, _fill, acc0)

    @pl.when(part == 0)
    def _():
        obuf_v[0] = prow_v[0] + bvec

    eidx = jnp.where(L >= 1, L - 1, S - 1)
    qe = L + 4

    @pl.when((qe >= qlo) & (qe < qhi))
    def _():
        obuf_v[qe - qlo] = prow_v[eidx] + bvec

    @pl.when(part == 0)
    def _():
        pltpu.sync_copy(obuf_v, out_hbm.at[row, pl.ds(0, CHUNK)])

    @pl.when(part == 1)
    def _():
        pltpu.sync_copy(obuf_v.at[pl.ds(0, P - CHUNK)],
                        out_hbm.at[row, pl.ds(CHUNK, P - CHUNK)])


@jax.jit
def kernel(outputs, attention_mask, W_dec, b_dec):
    emb = outputs[0]
    wt = W_dec.T

    proj = pl.pallas_call(
        _proj_kernel,
        grid=(B // TCROWS,),
        in_specs=[
            pl.BlockSpec((TCROWS, S, HID), lambda b: (b, 0, 0)),
            pl.BlockSpec((HID, LAB), lambda b: (0, 0)),
        ],
        out_specs=pl.BlockSpec((TCROWS, S, LAB), lambda b: (b, 0, 0)),
        out_shape=jax.ShapeDtypeStruct((B, S, LAB), jnp.float32),
    )(emb, wt)

    sc_unfold = pl.kernel(
        _sc_unfold,
        out_type=jax.ShapeDtypeStruct((B, P, LAB), jnp.float32),
        mesh=plsc.VectorSubcoreMesh(
            core_axis_name="c", subcore_axis_name="s",
            num_cores=NC, num_subcores=NS),
        scratch_types=[
            pltpu.VMEM((S, LAB), jnp.float32),
            pltpu.VMEM((S,), jnp.int32),
            pltpu.VMEM((CHUNK, LAB), jnp.float32),
            pltpu.VMEM((LAB,), jnp.float32),
            pltpu.SemaphoreType.DMA,
            pltpu.SemaphoreType.DMA,
            pltpu.SemaphoreType.DMA,
        ],
    )

    return sc_unfold(proj, attention_mask, b_dec)

# --- scband reference (transcript-rebuilt; emitter-appended) ---
"""Pipeline reference for scband-token-kmer-head-63144609185804 (READ-ONLY COPY).

The authoritative reference and input builder live on the scoring server;
editing this copy changes nothing except your own understanding.
"""

import jax, jax.numpy as jnp
import numpy as np

NMERS = 6
HID = 768
LAB = 16
B = 16
S = 512


def setup_inputs(seed: int = 0) -> dict:
    key = jax.random.key(seed)
    k1, k2, k3 = jax.random.split(key, 3)
    outputs = jax.random.normal(k1, (1, B, S, HID), dtype=jnp.float32)
    attention_mask = jax.random.randint(k2, (B, S), 0, 2).astype(jnp.int32)
    W_dec = jax.random.normal(k3, (LAB, HID), dtype=jnp.float32) * 0.02
    b_dec = jnp.zeros((LAB,), dtype=jnp.float32)
    return {"outputs": outputs, "attention_mask": attention_mask, "W_dec": W_dec, "b_dec": b_dec}


def unfold_kmer_embeddings(embeddings, attention_mask, nmers=NMERS, bos=True, eos=True):
    Bb, Ss, Hh = embeddings.shape
    lengths = attention_mask.sum(-1)
    offset = 1 if bos else 0
    trail = 1 if eos else 0
    P = Ss + nmers - 1
    q = jnp.arange(P)

    def one_row(tensor, L):
        n = L - offset - trail
        Tp = jnp.concatenate([tensor, jnp.zeros((nmers, Hh), dtype=tensor.dtype)], axis=0)

        def big(_):
            begin = jnp.stack([tensor[offset:offset + k].mean(0) for k in range(1, nmers)])
            medium_full = Tp[offset:offset + Ss]
            for k in range(1, nmers):
                medium_full = medium_full + Tp[offset + k:offset + k + Ss]
            medium_full = medium_full / nmers
            row = jnp.concatenate(
                [jnp.zeros((offset + nmers - 1, Hh), dtype=tensor.dtype), medium_full],
                axis=0)[:P]
            med_lo = offset + nmers - 1
            med_hi = offset + n - 1
            row = jnp.where(((q >= med_lo) & (q <= med_hi))[:, None], row, 0.0)
            row = row.at[offset:offset + nmers - 1].set(begin)
            end = jnp.stack([
                jax.lax.dynamic_slice(tensor, (L - trail - k, 0), (k, Hh)).mean(0)
                for k in range(nmers - 1, 0, -1)])
            row = jax.lax.dynamic_update_slice(row, end, (offset + n, 0))
            return row

        def small(_):
            C = jnp.concatenate(
                [jnp.zeros((1, Hh), dtype=tensor.dtype), jnp.cumsum(tensor, axis=0)],
                axis=0)
            nc = jnp.maximum(n, 1)
            p = q - offset
            a = jnp.maximum(0, p - (nmers - 1))
            b = jnp.minimum(nc, p + 1)
            denom = jnp.maximum(b - a, 1).astype(tensor.dtype)
            win = (C[offset + b] - C[offset + a]) / denom[:, None]
            valid = (p >= 0) & (p <= nc + nmers - 2)
            return jnp.where(valid[:, None], win, 0.0)

        row = jax.lax.cond(n > nmers, big, small, None)
        if bos:
            row = row.at[0].set(tensor[0])
        if eos:
            last = jax.lax.dynamic_slice(tensor, (L - 1, 0), (1, Hh))
            row = jax.lax.dynamic_update_slice(row, last, (offset + n + nmers - 1, 0))
        return row

    return jax.vmap(one_row)(embeddings, lengths)


def reference(outputs, attention_mask, W_dec, b_dec):
    # TokenKMerHead.forward: output = outputs[0]
    emb = outputs[0]
    unfolded = unfold_kmer_embeddings(emb, attention_mask)
    # dropout (eval, p=0) -> identity; transform='identity'; decoder linear
    logits = unfolded @ W_dec.T + b_dec
    return logits

if __name__ == "__main__":
    import jax
    _d = setup_inputs()
    print(jax.jit(kernel)(*tuple(_d.values())))

</pallas_src>

<mosaic_0001>
#map = affine_map<(d0, d1) -> (0, 0, 0)>
#map1 = affine_map<(d0, d1) -> (0, 0)>
#map2 = affine_map<(d0, d1) -> (0)>
module attributes {stable_mosaic.version = 14 : i64} {
  func.func @_sc_unfold(%arg0: i32, %arg1: i32, %arg2: memref<16x512x16xf32, #tpu.memory_space<hbm>>, %arg3: memref<16x512xi32, #tpu.memory_space<hbm>>, %arg4: memref<16xf32, #tpu.memory_space<hbm>>, %arg5: memref<16x517x16xf32, #tpu.memory_space<hbm>>, %arg6: memref<512x16xf32, #tpu.memory_space<vmem>>, %arg7: memref<512xi32, #tpu.memory_space<vmem>>, %arg8: memref<264x16xf32, #tpu.memory_space<vmem>>, %arg9: memref<16xf32, #tpu.memory_space<vmem>>, %arg10: memref<!tpu.dma_semaphore, #tpu.memory_space<semaphore_mem>>, %arg11: memref<!tpu.dma_semaphore, #tpu.memory_space<semaphore_mem>>, %arg12: memref<!tpu.dma_semaphore, #tpu.memory_space<semaphore_mem>>) attributes {dimension_semantics = [#tpu.dimension_semantics<core_parallel>, #tpu.dimension_semantics<subcore_parallel>], iteration_bounds = array<i64: 2, 16>, scalar_prefetch = 0 : i64, scratch_operands = 7 : i64, tpu.core_type = #tpu.core_type<sc_vector_subcore>, window_params = [{transform_indices = #map}, {transform_indices = #map1}, {transform_indices = #map2}, {transform_indices = #map}]} {
    %mul3A = arith.constant 2 : i32
    %mul3A_0 = arith.muli %arg1, %mul3A : i32
    %add3A = arith.addi %mul3A_0, %arg0 : i32
    %jit3A = arith.constant 2 : i32
    %div3A = arith.divsi %add3A, %jit3A : i32
    %sign3A = arith.constant 0 : i32
    %sign3A_1 = arith.cmpi sgt, %add3A, %sign3A : i32
    %sign3A_2 = arith.extui %sign3A_1 : i1 to i32
    %sign3A_3 = arith.constant 0 : i32
    %sign3A_4 = arith.cmpi slt, %add3A, %sign3A_3 : i32
    %sign3A_5 = arith.extui %sign3A_4 : i1 to i32
    %sign3A_6 = arith.subi %sign3A_2, %sign3A_5 : i32
    %sign3A_7 = arith.constant 0 : i32
    %sign3A_8 = arith.cmpi sgt, %jit3A, %sign3A_7 : i32
    %sign3A_9 = arith.extui %sign3A_8 : i1 to i32
    %sign3A_10 = arith.constant 0 : i32
    %sign3A_11 = arith.cmpi slt, %jit3A, %sign3A_10 : i32
    %sign3A_12 = arith.extui %sign3A_11 : i1 to i32
    %sign3A_13 = arith.subi %sign3A_9, %sign3A_12 : i32
    %ne3A = arith.cmpi ne, %sign3A_6, %sign3A_13 : i32
    %rem3A = arith.remsi %add3A, %jit3A : i32
    %ne3A_14 = arith.constant 0 : i32
    %ne3A_15 = arith.cmpi ne, %rem3A, %ne3A_14 : i32
    %and3A = arith.andi %ne3A, %ne3A_15 : i1
    %sub3A = arith.constant 1 : i32
    %sub3A_16 = arith.subi %div3A, %sub3A : i32
    %select_n3A = arith.select %and3A, %sub3A_16, %div3A : i32
    %jit3A_17 = arith.constant 2 : i32
    %eq3A = arith.constant 0 : i32
    %eq3A_18 = arith.cmpi eq, %jit3A_17, %eq3A : i32
    %jit3A_19 = arith.constant 1 : i32
    %select_n3A_20 = arith.select %eq3A_18, %jit3A_19, %jit3A_17 : i32
    %rem3A_21 = arith.remsi %add3A, %select_n3A_20 : i32
    %ne3A_22 = arith.constant 0 : i32
    %ne3A_23 = arith.cmpi ne, %rem3A_21, %ne3A_22 : i32
    %lt3A = arith.constant 0 : i32
    %lt3A_24 = arith.cmpi slt, %rem3A_21, %lt3A : i32
    %lt3A_25 = arith.constant 0 : i32
    %lt3A_26 = arith.cmpi slt, %select_n3A_20, %lt3A_25 : i32
    %ne3A_27 = arith.xori %lt3A_24, %lt3A_26 : i1
    %and3A_28 = arith.andi %ne3A_27, %ne3A_23 : i1
    %add3A_29 = arith.addi %rem3A_21, %select_n3A_20 : i32
    %select_n3A_30 = arith.select %and3A_28, %add3A_29, %rem3A_21 : i32
    %mul3A_31 = arith.constant 264 : i32
    %mul3A_32 = arith.muli %select_n3A_30, %mul3A_31 : i32
    %add3A_33 = arith.constant 264 : i32
    %add3A_34 = arith.addi %mul3A_32, %add3A_33 : i32
    %dma_start3A = arith.constant 0 : i32
    %dma_start3A_35 = arith.constant 0 : i32
    %dma_start3A_36 = tpu.memref_slice %arg2[%select_n3A, %dma_start3A, %dma_start3A_35] : memref<16x512x16xf32, #tpu.memory_space<hbm>> -> memref<1x512x16xf32, #tpu.memory_space<hbm>>
    %dma_start3A_37 = tpu.memref_squeeze %dma_start3A_36 : memref<1x512x16xf32, #tpu.memory_space<hbm>> -> memref<512x16xf32, #tpu.memory_space<hbm>>
    %dma_start3A_38 = arith.constant 0 : i32
    %dma_start3A_39 = arith.constant 0 : i32
    %dma_start3A_40 = tpu.memref_slice %arg2[%select_n3A, %dma_start3A_38, %dma_start3A_39] : memref<16x512x16xf32, #tpu.memory_space<hbm>> -> memref<1x512x16xf32, #tpu.memory_space<hbm>>
    %dma_start3A_41 = tpu.memref_squeeze %dma_start3A_40 : memref<1x512x16xf32, #tpu.memory_space<hbm>> -> memref<512x16xf32, #tpu.memory_space<hbm>>
    tpu.enqueue_dma source(%dma_start3A_41 : memref<512x16xf32, #tpu.memory_space<hbm>>) target(%arg6 : memref<512x16xf32, #tpu.memory_space<vmem>>) target_semaphore(%arg10 : memref<!tpu.dma_semaphore, #tpu.memory_space<semaphore_mem>>)
    %dma_start3A_42 = arith.constant 0 : i32
    %dma_start3A_43 = tpu.memref_slice %arg3[%select_n3A, %dma_start3A_42] : memref<16x512xi32, #tpu.memory_space<hbm>> -> memref<1x512xi32, #tpu.memory_space<hbm>>
    %dma_start3A_44 = tpu.memref_squeeze %dma_start3A_43 : memref<1x512xi32, #tpu.memory_space<hbm>> -> memref<512xi32, #tpu.memory_space<hbm>>
    %dma_start3A_45 = arith.constant 0 : i32
    %dma_start3A_46 = tpu.memref_slice %arg3[%select_n3A, %dma_start3A_45] : memref<16x512xi32, #tpu.memory_space<hbm>> -> memref<1x512xi32, #tpu.memory_space<hbm>>
    %dma_start3A_47 = tpu.memref_squeeze %dma_start3A_46 : memref<1x512xi32, #tpu.memory_space<hbm>> -> memref<512xi32, #tpu.memory_space<hbm>>
    tpu.enqueue_dma source(%dma_start3A_47 : memref<512xi32, #tpu.memory_space<hbm>>) target(%arg7 : memref<512xi32, #tpu.memory_space<vmem>>) target_semaphore(%arg11 : memref<!tpu.dma_semaphore, #tpu.memory_space<semaphore_mem>>)
    tpu.enqueue_dma source(%arg4 : memref<16xf32, #tpu.memory_space<hbm>>) target(%arg9 : memref<16xf32, #tpu.memory_space<vmem>>) target_semaphore(%arg12 : memref<!tpu.dma_semaphore, #tpu.memory_space<semaphore_mem>>)
    %dma_wait3A = arith.constant 0 : i32
    %dma_wait3A_48 = tpu.memref_slice %arg3[%select_n3A, %dma_wait3A] : memref<16x512xi32, #tpu.memory_space<hbm>> -> memref<1x512xi32, #tpu.memory_space<hbm>>
    %dma_wait3A_49 = tpu.memref_squeeze %dma_wait3A_48 : memref<1x512xi32, #tpu.memory_space<hbm>> -> memref<512xi32, #tpu.memory_space<hbm>>
    %dma_wait3A_50 = arith.constant 0 : i32
    %dma_wait3A_51 = tpu.memref_slice %arg3[%select_n3A, %dma_wait3A_50] : memref<16x512xi32, #tpu.memory_space<hbm>> -> memref<1x512xi32, #tpu.memory_space<hbm>>
    %dma_wait3A_52 = tpu.memref_squeeze %dma_wait3A_51 : memref<1x512xi32, #tpu.memory_space<hbm>> -> memref<512xi32, #tpu.memory_space<hbm>>
    tpu.wait_dma2 semaphore(%arg11 : memref<!tpu.dma_semaphore, #tpu.memory_space<semaphore_mem>>) src(%dma_wait3A_52 : memref<512xi32, #tpu.memory_space<hbm>>) dst(%arg7 : memref<512xi32, #tpu.memory_space<vmem>>)
    %broadcast_in_dim3A = arith.constant 0 : i32
    %broadcast_in_dim3A_53 = vector.broadcast %broadcast_in_dim3A : i32 to vector<16xi32>
    %scan3A = arith.constant 0 : i32
    %scan3A_54 = arith.constant 32 : i32
    %scan3A_55 = arith.addi %scan3A, %scan3A_54 : i32
    %scan3A_56 = arith.constant 8 : i32
    %scan3A_57 = scf.for %scan3A_311 = %scan3A to %scan3A_55 step %scan3A_56 iter_args(%scan3A_312 = %broadcast_in_dim3A_53) -> (vector<16xi32>)  : i32 {
      %mul3A_313 = arith.constant 16 : i32
      %mul3A_314 = arith.muli %scan3A_311, %mul3A_313 : i32
      %get3A_315 = arith.index_cast %mul3A_314 : i32 to index
      %get3A_316 = tpu.vector_load %arg7[%get3A_315] {strides = array<i32>} : memref<512xi32, #tpu.memory_space<vmem>>, vector<16xi32>,
      %get3A_317 = vector.shape_cast %get3A_316 : vector<16xi32> to vector<16xi32>
      %add3A_318 = arith.addi %scan3A_312, %get3A_317 : vector<16xi32>
      %scan3A_319 = arith.constant 1 : i32
      %scan3A_320 = arith.addi %scan3A_311, %scan3A_319 : i32
      %mul3A_321 = arith.constant 16 : i32
      %mul3A_322 = arith.muli %scan3A_320, %mul3A_321 : i32
      %get3A_323 = arith.index_cast %mul3A_322 : i32 to index
      %get3A_324 = tpu.vector_load %arg7[%get3A_323] {strides = array<i32>} : memref<512xi32, #tpu.memory_space<vmem>>, vector<16xi32>,
      %get3A_325 = vector.shape_cast %get3A_324 : vector<16xi32> to vector<16xi32>
      %add3A_326 = arith.addi %add3A_318, %get3A_325 : vector<16xi32>
      %scan3A_327 = arith.constant 2 : i32
      %scan3A_328 = arith.addi %scan3A_311, %scan3A_327 : i32
      %mul3A_329 = arith.constant 16 : i32
      %mul3A_330 = arith.muli %scan3A_328, %mul3A_329 : i32
      %get3A_331 = arith.index_cast %mul3A_330 : i32 to index
      %get3A_332 = tpu.vector_load %arg7[%get3A_331] {strides = array<i32>} : memref<512xi32, #tpu.memory_space<vmem>>, vector<16xi32>,
      %get3A_333 = vector.shape_cast %get3A_332 : vector<16xi32> to vector<16xi32>
      %add3A_334 = arith.addi %add3A_326, %get3A_333 : vector<16xi32>
      %scan3A_335 = arith.constant 3 : i32
      %scan3A_336 = arith.addi %scan3A_311, %scan3A_335 : i32
      %mul3A_337 = arith.constant 16 : i32
      %mul3A_338 = arith.muli %scan3A_336, %mul3A_337 : i32
      %get3A_339 = arith.index_cast %mul3A_338 : i32 to index
      %get3A_340 = tpu.vector_load %arg7[%get3A_339] {strides = array<i32>} : memref<512xi32, #tpu.memory_space<vmem>>, vector<16xi32>,
      %get3A_341 = vector.shape_cast %get3A_340 : vector<16xi32> to vector<16xi32>
      %add3A_342 = arith.addi %add3A_334, %get3A_341 : vector<16xi32>
      %scan3A_343 = arith.constant 4 : i32
      %scan3A_344 = arith.addi %scan3A_311, %scan3A_343 : i32
      %mul3A_345 = arith.constant 16 : i32
      %mul3A_346 = arith.muli %scan3A_344, %mul3A_345 : i32
      %get3A_347 = arith.index_cast %mul3A_346 : i32 to index
      %get3A_348 = tpu.vector_load %arg7[%get3A_347] {strides = array<i32>} : memref<512xi32, #tpu.memory_space<vmem>>, vector<16xi32>,
      %get3A_349 = vector.shape_cast %get3A_348 : vector<16xi32> to vector<16xi32>
      %add3A_350 = arith.addi %add3A_342, %get3A_349 : vector<16xi32>
      %scan3A_351 = arith.constant 5 : i32
      %scan3A_352 = arith.addi %scan3A_311, %scan3A_351 : i32
      %mul3A_353 = arith.constant 16 : i32
      %mul3A_354 = arith.muli %scan3A_352, %mul3A_353 : i32
      %get3A_355 = arith.index_cast %mul3A_354 : i32 to index
      %get3A_356 = tpu.vector_load %arg7[%get3A_355] {strides = array<i32>} : memref<512xi32, #tpu.memory_space<vmem>>, vector<16xi32>,
      %get3A_357 = vector.shape_cast %get3A_356 : vector<16xi32> to vector<16xi32>
      %add3A_358 = arith.addi %add3A_350, %get3A_357 : vector<16xi32>
      %scan3A_359 = arith.constant 6 : i32
      %scan3A_360 = arith.addi %scan3A_311, %scan3A_359 : i32
      %mul3A_361 = arith.constant 16 : i32
      %mul3A_362 = arith.muli %scan3A_360, %mul3A_361 : i32
      %get3A_363 = arith.index_cast %mul3A_362 : i32 to index
      %get3A_364 = tpu.vector_load %arg7[%get3A_363] {strides = array<i32>} : memref<512xi32, #tpu.memory_space<vmem>>, vector<16xi32>,
      %get3A_365 = vector.shape_cast %get3A_364 : vector<16xi32> to vector<16xi32>
      %add3A_366 = arith.addi %add3A_358, %get3A_365 : vector<16xi32>
      %scan3A_367 = arith.constant 7 : i32
      %scan3A_368 = arith.addi %scan3A_311, %scan3A_367 : i32
      %mul3A_369 = arith.constant 16 : i32
      %mul3A_370 = arith.muli %scan3A_368, %mul3A_369 : i32
      %get3A_371 = arith.index_cast %mul3A_370 : i32 to index
      %get3A_372 = tpu.vector_load %arg7[%get3A_371] {strides = array<i32>} : memref<512xi32, #tpu.memory_space<vmem>>, vector<16xi32>,
      %get3A_373 = vector.shape_cast %get3A_372 : vector<16xi32> to vector<16xi32>
      %add3A_374 = arith.addi %add3A_366, %get3A_373 : vector<16xi32>
      scf.yield %add3A_374 : vector<16xi32>
    }
    %scan3A_58 = arith.constant 32 : i32
    %slice3A = vector.extract_strided_slice %scan3A_57 {offsets = [0], sizes = [1], strides = [1]} : vector<16xi32> to vector<1xi32>
    %squeeze3A = vector.extract %slice3A[0] : i32 from vector<1xi32>
    %slice3A_59 = vector.extract_strided_slice %scan3A_57 {offsets = [1], sizes = [1], strides = [1]} : vector<16xi32> to vector<1xi32>
    %squeeze3A_60 = vector.extract %slice3A_59[0] : i32 from vector<1xi32>
    %add3A_61 = arith.addi %squeeze3A, %squeeze3A_60 : i32
    %slice3A_62 = vector.extract_strided_slice %scan3A_57 {offsets = [2], sizes = [1], strides = [1]} : vector<16xi32> to vector<1xi32>
    %squeeze3A_63 = vector.extract %slice3A_62[0] : i32 from vector<1xi32>
    %add3A_64 = arith.addi %add3A_61, %squeeze3A_63 : i32
    %slice3A_65 = vector.extract_strided_slice %scan3A_57 {offsets = [3], sizes = [1], strides = [1]} : vector<16xi32> to vector<1xi32>
    %squeeze3A_66 = vector.extract %slice3A_65[0] : i32 from vector<1xi32>
    %add3A_67 = arith.addi %add3A_64, %squeeze3A_66 : i32
    %slice3A_68 = vector.extract_strided_slice %scan3A_57 {offsets = [4], sizes = [1], strides = [1]} : vector<16xi32> to vector<1xi32>
    %squeeze3A_69 = vector.extract %slice3A_68[0] : i32 from vector<1xi32>
    %add3A_70 = arith.addi %add3A_67, %squeeze3A_69 : i32
    %slice3A_71 = vector.extract_strided_slice %scan3A_57 {offsets = [5], sizes = [1], strides = [1]} : vector<16xi32> to vector<1xi32>
    %squeeze3A_72 = vector.extract %slice3A_71[0] : i32 from vector<1xi32>
    %add3A_73 = arith.addi %add3A_70, %squeeze3A_72 : i32
    %slice3A_74 = vector.extract_strided_slice %scan3A_57 {offsets = [6], sizes = [1], strides = [1]} : vector<16xi32> to vector<1xi32>
    %squeeze3A_75 = vector.extract %slice3A_74[0] : i32 from vector<1xi32>
    %add3A_76 = arith.addi %add3A_73, %squeeze3A_75 : i32
    %slice3A_77 = vector.extract_strided_slice %scan3A_57 {offsets = [7], sizes = [1], strides = [1]} : vector<16xi32> to vector<1xi32>
    %squeeze3A_78 = vector.extract %slice3A_77[0] : i32 from vector<1xi32>
    %add3A_79 = arith.addi %add3A_76, %squeeze3A_78 : i32
    %slice3A_80 = vector.extract_strided_slice %scan3A_57 {offsets = [8], sizes = [1], strides = [1]} : vector<16xi32> to vector<1xi32>
    %squeeze3A_81 = vector.extract %slice3A_80[0] : i32 from vector<1xi32>
    %add3A_82 = arith.addi %add3A_79, %squeeze3A_81 : i32
    %slice3A_83 = vector.extract_strided_slice %scan3A_57 {offsets = [9], sizes = [1], strides = [1]} : vector<16xi32> to vector<1xi32>
    %squeeze3A_84 = vector.extract %slice3A_83[0] : i32 from vector<1xi32>
    %add3A_85 = arith.addi %add3A_82, %squeeze3A_84 : i32
    %slice3A_86 = vector.extract_strided_slice %scan3A_57 {offsets = [10], sizes = [1], strides = [1]} : vector<16xi32> to vector<1xi32>
    %squeeze3A_87 = vector.extract %slice3A_86[0] : i32 from vector<1xi32>
    %add3A_88 = arith.addi %add3A_85, %squeeze3A_87 : i32
    %slice3A_89 = vector.extract_strided_slice %scan3A_57 {offsets = [11], sizes = [1], strides = [1]} : vector<16xi32> to vector<1xi32>
    %squeeze3A_90 = vector.extract %slice3A_89[0] : i32 from vector<1xi32>
    %add3A_91 = arith.addi %add3A_88, %squeeze3A_90 : i32
    %slice3A_92 = vector.extract_strided_slice %scan3A_57 {offsets = [12], sizes = [1], strides = [1]} : vector<16xi32> to vector<1xi32>
    %squeeze3A_93 = vector.extract %slice3A_92[0] : i32 from vector<1xi32>
    %add3A_94 = arith.addi %add3A_91, %squeeze3A_93 : i32
    %slice3A_95 = vector.extract_strided_slice %scan3A_57 {offsets = [13], sizes = [1], strides = [1]} : vector<16xi32> to vector<1xi32>
    %squeeze3A_96 = vector.extract %slice3A_95[0] : i32 from vector<1xi32>
    %add3A_97 = arith.addi %add3A_94, %squeeze3A_96 : i32
    %slice3A_98 = vector.extract_strided_slice %scan3A_57 {offsets = [14], sizes = [1], strides = [1]} : vector<16xi32> to vector<1xi32>
    %squeeze3A_99 = vector.extract %slice3A_98[0] : i32 from vector<1xi32>
    %add3A_100 = arith.addi %add3A_97, %squeeze3A_99 : i32
    %slice3A_101 = vector.extract_strided_slice %scan3A_57 {offsets = [15], sizes = [1], strides = [1]} : vector<16xi32> to vector<1xi32>
    %squeeze3A_102 = vector.extract %slice3A_101[0] : i32 from vector<1xi32>
    %add3A_103 = arith.addi %add3A_100, %squeeze3A_102 : i32
    %sub3A_104 = arith.constant 2 : i32
    %sub3A_105 = arith.subi %add3A_103, %sub3A_104 : i32
    %max3A = arith.constant 1 : i32
    %max3A_106 = arith.maxsi %sub3A_105, %max3A : i32
    %jit3A_107 = arith.constant 6 : i32
    %max3A_108 = arith.maxsi %mul3A_32, %jit3A_107 : i32
    %min3A = arith.minsi %add3A_34, %max3A_108 : i32
    %add3A_109 = arith.constant 1 : i32
    %add3A_110 = arith.addi %max3A_106, %add3A_109 : i32
    %max3A_111 = arith.maxsi %mul3A_32, %add3A_110 : i32
    %min3A_112 = arith.minsi %add3A_34, %max3A_111 : i32
    %add3A_113 = arith.constant 1 : i32
    %add3A_114 = arith.addi %max3A_106, %add3A_113 : i32
    %max3A_115 = arith.constant 6 : i32
    %max3A_116 = arith.maxsi %max3A_115, %add3A_114 : i32
    %max3A_117 = arith.maxsi %mul3A_32, %max3A_116 : i32
    %min3A_118 = arith.minsi %add3A_34, %max3A_117 : i32
    %add3A_119 = arith.constant 6 : i32
    %add3A_120 = arith.addi %max3A_106, %add3A_119 : i32
    %max3A_121 = arith.maxsi %mul3A_32, %add3A_120 : i32
    %min3A_122 = arith.minsi %add3A_34, %max3A_121 : i32
    %add3A_123 = arith.constant 6 : i32
    %add3A_124 = arith.addi %max3A_106, %add3A_123 : i32
    %max3A_125 = arith.maxsi %mul3A_32, %add3A_124 : i32
    %min3A_126 = arith.minsi %add3A_34, %max3A_125 : i32
    %dma_wait3A_127 = arith.constant 0 : i32
    %dma_wait3A_128 = arith.constant 0 : i32
    %dma_wait3A_129 = tpu.memref_slice %arg2[%select_n3A, %dma_wait3A_127, %dma_wait3A_128] : memref<16x512x16xf32, #tpu.memory_space<hbm>> -> memref<1x512x16xf32, #tpu.memory_space<hbm>>
    %dma_wait3A_130 = tpu.memref_squeeze %dma_wait3A_129 : memref<1x512x16xf32, #tpu.memory_space<hbm>> -> memref<512x16xf32, #tpu.memory_space<hbm>>
    %dma_wait3A_131 = arith.constant 0 : i32
    %dma_wait3A_132 = arith.constant 0 : i32
    %dma_wait3A_133 = tpu.memref_slice %arg2[%select_n3A, %dma_wait3A_131, %dma_wait3A_132] : memref<16x512x16xf32, #tpu.memory_space<hbm>> -> memref<1x512x16xf32, #tpu.memory_space<hbm>>
    %dma_wait3A_134 = tpu.memref_squeeze %dma_wait3A_133 : memref<1x512x16xf32, #tpu.memory_space<hbm>> -> memref<512x16xf32, #tpu.memory_space<hbm>>
    tpu.wait_dma2 semaphore(%arg10 : memref<!tpu.dma_semaphore, #tpu.memory_space<semaphore_mem>>) src(%dma_wait3A_134 : memref<512x16xf32, #tpu.memory_space<hbm>>) dst(%arg6 : memref<512x16xf32, #tpu.memory_space<vmem>>)
    tpu.wait_dma2 semaphore(%arg12 : memref<!tpu.dma_semaphore, #tpu.memory_space<semaphore_mem>>) src(%arg4 : memref<16xf32, #tpu.memory_space<hbm>>) dst(%arg9 : memref<16xf32, #tpu.memory_space<vmem>>)
    %get3A = arith.constant 0 : index
    %get3A_135 = tpu.vector_load %arg9[%get3A] {strides = array<i32>} : memref<16xf32, #tpu.memory_space<vmem>>, vector<16xf32>,
    %get3A_136 = vector.shape_cast %get3A_135 : vector<16xf32> to vector<16xf32>
    %broadcast_in_dim3A_137 = arith.constant 0.000000e+00 : f32
    %broadcast_in_dim3A_138 = vector.broadcast %broadcast_in_dim3A_137 : f32 to vector<16xf32>
    %sub3A_139 = arith.constant 5 : i32
    %sub3A_140 = arith.subi %mul3A_32, %sub3A_139 : i32
    %add3A_141 = arith.constant 0 : i32
    %add3A_142 = arith.addi %sub3A_140, %add3A_141 : i32
    %jit3A_143 = arith.constant 0 : i32
    %jit3A_144 = arith.constant 511 : i32
    %max3A_145 = arith.maxsi %jit3A_143, %add3A_142 : i32
    %min3A_146 = arith.minsi %jit3A_144, %max3A_145 : i32
    %ge3A = arith.constant 1 : i32
    %ge3A_147 = arith.cmpi sge, %add3A_142, %ge3A : i32
    %le3A = arith.cmpi sle, %add3A_142, %max3A_106 : i32
    %and3A_148 = arith.andi %ge3A_147, %le3A : i1
    %jit3A_149 = arith.constant 1.000000e+00 : f32
    %jit3A_150 = arith.constant 0.000000e+00 : f32
    %select_n3A_151 = arith.select %and3A_148, %jit3A_149, %jit3A_150 : f32
    %get3A_152 = arith.index_cast %min3A_146 : i32 to index
    %get3A_153 = arith.constant 0 : index
    %get3A_154 = tpu.vector_load %arg6[%get3A_152, %get3A_153] {strides = array<i32>} : memref<512x16xf32, #tpu.memory_space<vmem>>, vector<1x16xf32>,
    %get3A_155 = vector.shape_cast %get3A_154 : vector<1x16xf32> to vector<16xf32>
    %mul3A_156 = vector.broadcast %select_n3A_151 : f32 to vector<16xf32>
    %mul3A_157 = arith.mulf %get3A_155, %mul3A_156 : vector<16xf32>
    %add3A_158 = arith.addf %broadcast_in_dim3A_138, %mul3A_157 : vector<16xf32>
    %sub3A_159 = arith.constant 5 : i32
    %sub3A_160 = arith.subi %mul3A_32, %sub3A_159 : i32
    %add3A_161 = arith.constant 1 : i32
    %add3A_162 = arith.addi %sub3A_160, %add3A_161 : i32
    %jit3A_163 = arith.constant 0 : i32
    %jit3A_164 = arith.constant 511 : i32
    %max3A_165 = arith.maxsi %jit3A_163, %add3A_162 : i32
    %min3A_166 = arith.minsi %jit3A_164, %max3A_165 : i32
    %ge3A_167 = arith.constant 1 : i32
    %ge3A_168 = arith.cmpi sge, %add3A_162, %ge3A_167 : i32
    %le3A_169 = arith.cmpi sle, %add3A_162, %max3A_106 : i32
    %and3A_170 = arith.andi %ge3A_168, %le3A_169 : i1
    %jit3A_171 = arith.constant 1.000000e+00 : f32
    %jit3A_172 = arith.constant 0.000000e+00 : f32
    %select_n3A_173 = arith.select %and3A_170, %jit3A_171, %jit3A_172 : f32
    %get3A_174 = arith.index_cast %min3A_166 : i32 to index
    %get3A_175 = arith.constant 0 : index
    %get3A_176 = tpu.vector_load %arg6[%get3A_174, %get3A_175] {strides = array<i32>} : memref<512x16xf32, #tpu.memory_space<vmem>>, vector<1x16xf32>,
    %get3A_177 = vector.shape_cast %get3A_176 : vector<1x16xf32> to vector<16xf32>
    %mul3A_178 = vector.broadcast %select_n3A_173 : f32 to vector<16xf32>
    %mul3A_179 = arith.mulf %get3A_177, %mul3A_178 : vector<16xf32>
    %add3A_180 = arith.addf %add3A_158, %mul3A_179 : vector<16xf32>
    %sub3A_181 = arith.constant 5 : i32
    %sub3A_182 = arith.subi %mul3A_32, %sub3A_181 : i32
    %add3A_183 = arith.constant 2 : i32
    %add3A_184 = arith.addi %sub3A_182, %add3A_183 : i32
    %jit3A_185 = arith.constant 0 : i32
    %jit3A_186 = arith.constant 511 : i32
    %max3A_187 = arith.maxsi %jit3A_185, %add3A_184 : i32
    %min3A_188 = arith.minsi %jit3A_186, %max3A_187 : i32
    %ge3A_189 = arith.constant 1 : i32
    %ge3A_190 = arith.cmpi sge, %add3A_184, %ge3A_189 : i32
    %le3A_191 = arith.cmpi sle, %add3A_184, %max3A_106 : i32
    %and3A_192 = arith.andi %ge3A_190, %le3A_191 : i1
    %jit3A_193 = arith.constant 1.000000e+00 : f32
    %jit3A_194 = arith.constant 0.000000e+00 : f32
    %select_n3A_195 = arith.select %and3A_192, %jit3A_193, %jit3A_194 : f32
    %get3A_196 = arith.index_cast %min3A_188 : i32 to index
    %get3A_197 = arith.constant 0 : index
    %get3A_198 = tpu.vector_load %arg6[%get3A_196, %get3A_197] {strides = array<i32>} : memref<512x16xf32, #tpu.memory_space<vmem>>, vector<1x16xf32>,
    %get3A_199 = vector.shape_cast %get3A_198 : vector<1x16xf32> to vector<16xf32>
    %mul3A_200 = vector.broadcast %select_n3A_195 : f32 to vector<16xf32>
    %mul3A_201 = arith.mulf %get3A_199, %mul3A_200 : vector<16xf32>
    %add3A_202 = arith.addf %add3A_180, %mul3A_201 : vector<16xf32>
    %sub3A_203 = arith.constant 5 : i32
    %sub3A_204 = arith.subi %mul3A_32, %sub3A_203 : i32
    %add3A_205 = arith.constant 3 : i32
    %add3A_206 = arith.addi %sub3A_204, %add3A_205 : i32
    %jit3A_207 = arith.constant 0 : i32
    %jit3A_208 = arith.constant 511 : i32
    %max3A_209 = arith.maxsi %jit3A_207, %add3A_206 : i32
    %min3A_210 = arith.minsi %jit3A_208, %max3A_209 : i32
    %ge3A_211 = arith.constant 1 : i32
    %ge3A_212 = arith.cmpi sge, %add3A_206, %ge3A_211 : i32
    %le3A_213 = arith.cmpi sle, %add3A_206, %max3A_106 : i32
    %and3A_214 = arith.andi %ge3A_212, %le3A_213 : i1
    %jit3A_215 = arith.constant 1.000000e+00 : f32
    %jit3A_216 = arith.constant 0.000000e+00 : f32
    %select_n3A_217 = arith.select %and3A_214, %jit3A_215, %jit3A_216 : f32
    %get3A_218 = arith.index_cast %min3A_210 : i32 to index
    %get3A_219 = arith.constant 0 : index
    %get3A_220 = tpu.vector_load %arg6[%get3A_218, %get3A_219] {strides = array<i32>} : memref<512x16xf32, #tpu.memory_space<vmem>>, vector<1x16xf32>,
    %get3A_221 = vector.shape_cast %get3A_220 : vector<1x16xf32> to vector<16xf32>
    %mul3A_222 = vector.broadcast %select_n3A_217 : f32 to vector<16xf32>
    %mul3A_223 = arith.mulf %get3A_221, %mul3A_222 : vector<16xf32>
    %add3A_224 = arith.addf %add3A_202, %mul3A_223 : vector<16xf32>
    %sub3A_225 = arith.constant 5 : i32
    %sub3A_226 = arith.subi %mul3A_32, %sub3A_225 : i32
    %add3A_227 = arith.constant 4 : i32
    %add3A_228 = arith.addi %sub3A_226, %add3A_227 : i32
    %jit3A_229 = arith.constant 0 : i32
    %jit3A_230 = arith.constant 511 : i32
    %max3A_231 = arith.maxsi %jit3A_229, %add3A_228 : i32
    %min3A_232 = arith.minsi %jit3A_230, %max3A_231 : i32
    %ge3A_233 = arith.constant 1 : i32
    %ge3A_234 = arith.cmpi sge, %add3A_228, %ge3A_233 : i32
    %le3A_235 = arith.cmpi sle, %add3A_228, %max3A_106 : i32
    %and3A_236 = arith.andi %ge3A_234, %le3A_235 : i1
    %jit3A_237 = arith.constant 1.000000e+00 : f32
    %jit3A_238 = arith.constant 0.000000e+00 : f32
    %select_n3A_239 = arith.select %and3A_236, %jit3A_237, %jit3A_238 : f32
    %get3A_240 = arith.index_cast %min3A_232 : i32 to index
    %get3A_241 = arith.constant 0 : index
    %get3A_242 = tpu.vector_load %arg6[%get3A_240, %get3A_241] {strides = array<i32>} : memref<512x16xf32, #tpu.memory_space<vmem>>, vector<1x16xf32>,
    %get3A_243 = vector.shape_cast %get3A_242 : vector<1x16xf32> to vector<16xf32>
    %mul3A_244 = vector.broadcast %select_n3A_239 : f32 to vector<16xf32>
    %mul3A_245 = arith.mulf %get3A_243, %mul3A_244 : vector<16xf32>
    %add3A_246 = arith.addf %add3A_224, %mul3A_245 : vector<16xf32>
    %while3A = arith.subi %min3A, %mul3A_32 : i32
    %while3A_247 = arith.addi %mul3A_32, %while3A : i32
    %while3A_248 = arith.constant 1 : i32
    %while3A_249 = arith.divsi %while3A, %while3A_248 : i32
    %while3A_250 = arith.muli %while3A_249, %while3A_248 : i32
    %while3A_251 = arith.addi %mul3A_32, %while3A_250 : i32
    %while3A_252 = arith.constant 1 : i32
    %while3A_253 = scf.for %while3A_311 = %mul3A_32 to %while3A_251 step %while3A_252 iter_args(%while3A_312 = %add3A_246) -> (vector<16xf32>)  : i32 {
      %jit3A_313 = arith.constant 0 : i32
      %jit3A_314 = arith.constant 511 : i32
      %max3A_315 = arith.maxsi %jit3A_313, %while3A_311 : i32
      %min3A_316 = arith.minsi %jit3A_314, %max3A_315 : i32
      %ge3A_317 = arith.constant 1 : i32
      %ge3A_318 = arith.cmpi sge, %while3A_311, %ge3A_317 : i32
      %le3A_319 = arith.cmpi sle, %while3A_311, %max3A_106 : i32
      %and3A_320 = arith.andi %ge3A_318, %le3A_319 : i1
      %jit3A_321 = arith.constant 1.000000e+00 : f32
      %jit3A_322 = arith.constant 0.000000e+00 : f32
      %select_n3A_323 = arith.select %and3A_320, %jit3A_321, %jit3A_322 : f32
      %get3A_324 = arith.index_cast %min3A_316 : i32 to index
      %get3A_325 = arith.constant 0 : index
      %get3A_326 = tpu.vector_load %arg6[%get3A_324, %get3A_325] {strides = array<i32>} : memref<512x16xf32, #tpu.memory_space<vmem>>, vector<1x16xf32>,
      %get3A_327 = vector.shape_cast %get3A_326 : vector<1x16xf32> to vector<16xf32>
      %mul3A_328 = vector.broadcast %select_n3A_323 : f32 to vector<16xf32>
      %mul3A_329 = arith.mulf %get3A_327, %mul3A_328 : vector<16xf32>
      %add3A_330 = arith.addf %while3A_312, %mul3A_329 : vector<16xf32>
      %sub3A_331 = arith.constant 5 : i32
      %sub3A_332 = arith.subi %while3A_311, %sub3A_331 : i32
      %max3A_333 = arith.constant 1 : i32
      %max3A_334 = arith.maxsi %max3A_333, %sub3A_332 : i32
      %min3A_335 = arith.minsi %max3A_106, %while3A_311 : i32
      %sub3A_336 = arith.subi %min3A_335, %max3A_334 : i32
      %add3A_337 = arith.constant 1 : i32
      %add3A_338 = arith.addi %sub3A_336, %add3A_337 : i32
      %max3A_339 = arith.constant 1 : i32
      %max3A_340 = arith.maxsi %add3A_338, %max3A_339 : i32
      %eq3A_341 = arith.constant 2 : i32
      %eq3A_342 = arith.cmpi eq, %max3A_340, %eq3A_341 : i32
      %jit3A_343 = arith.constant 5.000000e-01 : f32
      %jit3A_344 = arith.constant 1.000000e+00 : f32
      %select_n3A_345 = arith.select %eq3A_342, %jit3A_343, %jit3A_344 : f32
      %eq3A_346 = arith.constant 3 : i32
      %eq3A_347 = arith.cmpi eq, %max3A_340, %eq3A_346 : i32
      %jit3A_348 = arith.constant 0.333333343 : f32
      %select_n3A_349 = arith.select %eq3A_347, %jit3A_348, %select_n3A_345 : f32
      %eq3A_350 = arith.constant 4 : i32
      %eq3A_351 = arith.cmpi eq, %max3A_340, %eq3A_350 : i32
      %jit3A_352 = arith.constant 2.500000e-01 : f32
      %select_n3A_353 = arith.select %eq3A_351, %jit3A_352, %select_n3A_349 : f32
      %eq3A_354 = arith.constant 5 : i32
      %eq3A_355 = arith.cmpi eq, %max3A_340, %eq3A_354 : i32
      %jit3A_356 = arith.constant 2.000000e-01 : f32
      %select_n3A_357 = arith.select %eq3A_355, %jit3A_356, %select_n3A_353 : f32
      %eq3A_358 = arith.constant 6 : i32
      %eq3A_359 = arith.cmpi eq, %max3A_340, %eq3A_358 : i32
      %jit3A_360 = arith.constant 0.166666672 : f32
      %select_n3A_361 = arith.select %eq3A_359, %jit3A_360, %select_n3A_357 : f32
      %mul3A_362 = vector.broadcast %select_n3A_361 : f32 to vector<16xf32>
      %mul3A_363 = arith.mulf %add3A_330, %mul3A_362 : vector<16xf32>
      %add3A_364 = arith.addf %mul3A_363, %get3A_136 : vector<16xf32>
      %sub3A_365 = arith.subi %while3A_311, %mul3A_32 : i32
      %swap3A = arith.index_cast %sub3A_365 : i32 to index
      %swap3A_366 = arith.constant 0 : index
      %swap3A_367 = tpu.vector_load %arg8[%swap3A, %swap3A_366] {strides = array<i32>} : memref<264x16xf32, #tpu.memory_space<vmem>>, vector<1x16xf32>,
      %swap3A_368 = vector.shape_cast %swap3A_367 : vector<1x16xf32> to vector<16xf32>
      %swap3A_369 = vector.shape_cast %add3A_364 : vector<16xf32> to vector<1x16xf32>
      tpu.vector_store %arg8[%swap3A, %swap3A_366], %swap3A_369 {strides = array<i32>} : memref<264x16xf32, #tpu.memory_space<vmem>>, vector<1x16xf32>,
      %sub3A_370 = arith.constant 5 : i32
      %sub3A_371 = arith.subi %while3A_311, %sub3A_370 : i32
      %jit3A_372 = arith.constant 0 : i32
      %jit3A_373 = arith.constant 511 : i32
      %max3A_374 = arith.maxsi %jit3A_372, %sub3A_371 : i32
      %min3A_375 = arith.minsi %jit3A_373, %max3A_374 : i32
      %ge3A_376 = arith.constant 1 : i32
      %ge3A_377 = arith.cmpi sge, %sub3A_371, %ge3A_376 : i32
      %le3A_378 = arith.cmpi sle, %sub3A_371, %max3A_106 : i32
      %and3A_379 = arith.andi %ge3A_377, %le3A_378 : i1
      %jit3A_380 = arith.constant 1.000000e+00 : f32
      %jit3A_381 = arith.constant 0.000000e+00 : f32
      %select_n3A_382 = arith.select %and3A_379, %jit3A_380, %jit3A_381 : f32
      %get3A_383 = arith.index_cast %min3A_375 : i32 to index
      %get3A_384 = arith.constant 0 : index
      %get3A_385 = tpu.vector_load %arg6[%get3A_383, %get3A_384] {strides = array<i32>} : memref<512x16xf32, #tpu.memory_space<vmem>>, vector<1x16xf32>,
      %get3A_386 = vector.shape_cast %get3A_385 : vector<1x16xf32> to vector<16xf32>
      %mul3A_387 = vector.broadcast %select_n3A_382 : f32 to vector<16xf32>
      %mul3A_388 = arith.mulf %get3A_386, %mul3A_387 : vector<16xf32>
      %sub3A_389 = arith.subf %add3A_330, %mul3A_388 : vector<16xf32>
      scf.yield %sub3A_389 : vector<16xf32>
    }
    %while3A_254 = arith.constant 1 : i32
    %while3A_255 = scf.for %while3A_311 = %while3A_251 to %while3A_247 step %while3A_254 iter_args(%while3A_312 = %while3A_253) -> (vector<16xf32>)  : i32 {
      %jit3A_313 = arith.constant 0 : i32
      %jit3A_314 = arith.constant 511 : i32
      %max3A_315 = arith.maxsi %jit3A_313, %while3A_311 : i32
      %min3A_316 = arith.minsi %jit3A_314, %max3A_315 : i32
      %ge3A_317 = arith.constant 1 : i32
      %ge3A_318 = arith.cmpi sge, %while3A_311, %ge3A_317 : i32
      %le3A_319 = arith.cmpi sle, %while3A_311, %max3A_106 : i32
      %and3A_320 = arith.andi %ge3A_318, %le3A_319 : i1
      %jit3A_321 = arith.constant 1.000000e+00 : f32
      %jit3A_322 = arith.constant 0.000000e+00 : f32
      %select_n3A_323 = arith.select %and3A_320, %jit3A_321, %jit3A_322 : f32
      %get3A_324 = arith.index_cast %min3A_316 : i32 to index
      %get3A_325 = arith.constant 0 : index
      %get3A_326 = tpu.vector_load %arg6[%get3A_324, %get3A_325] {strides = array<i32>} : memref<512x16xf32, #tpu.memory_space<vmem>>, vector<1x16xf32>,
      %get3A_327 = vector.shape_cast %get3A_326 : vector<1x16xf32> to vector<16xf32>
      %mul3A_328 = vector.broadcast %select_n3A_323 : f32 to vector<16xf32>
      %mul3A_329 = arith.mulf %get3A_327, %mul3A_328 : vector<16xf32>
      %add3A_330 = arith.addf %while3A_312, %mul3A_329 : vector<16xf32>
      %sub3A_331 = arith.constant 5 : i32
      %sub3A_332 = arith.subi %while3A_311, %sub3A_331 : i32
      %max3A_333 = arith.constant 1 : i32
      %max3A_334 = arith.maxsi %max3A_333, %sub3A_332 : i32
      %min3A_335 = arith.minsi %max3A_106, %while3A_311 : i32
      %sub3A_336 = arith.subi %min3A_335, %max3A_334 : i32
      %add3A_337 = arith.constant 1 : i32
      %add3A_338 = arith.addi %sub3A_336, %add3A_337 : i32
      %max3A_339 = arith.constant 1 : i32
      %max3A_340 = arith.maxsi %add3A_338, %max3A_339 : i32
      %eq3A_341 = arith.constant 2 : i32
      %eq3A_342 = arith.cmpi eq, %max3A_340, %eq3A_341 : i32
      %jit3A_343 = arith.constant 5.000000e-01 : f32
      %jit3A_344 = arith.constant 1.000000e+00 : f32
      %select_n3A_345 = arith.select %eq3A_342, %jit3A_343, %jit3A_344 : f32
      %eq3A_346 = arith.constant 3 : i32
      %eq3A_347 = arith.cmpi eq, %max3A_340, %eq3A_346 : i32
      %jit3A_348 = arith.constant 0.333333343 : f32
      %select_n3A_349 = arith.select %eq3A_347, %jit3A_348, %select_n3A_345 : f32
      %eq3A_350 = arith.constant 4 : i32
      %eq3A_351 = arith.cmpi eq, %max3A_340, %eq3A_350 : i32
      %jit3A_352 = arith.constant 2.500000e-01 : f32
      %select_n3A_353 = arith.select %eq3A_351, %jit3A_352, %select_n3A_349 : f32
      %eq3A_354 = arith.constant 5 : i32
      %eq3A_355 = arith.cmpi eq, %max3A_340, %eq3A_354 : i32
      %jit3A_356 = arith.constant 2.000000e-01 : f32
      %select_n3A_357 = arith.select %eq3A_355, %jit3A_356, %select_n3A_353 : f32
      %eq3A_358 = arith.constant 6 : i32
      %eq3A_359 = arith.cmpi eq, %max3A_340, %eq3A_358 : i32
      %jit3A_360 = arith.constant 0.166666672 : f32
      %select_n3A_361 = arith.select %eq3A_359, %jit3A_360, %select_n3A_357 : f32
      %mul3A_362 = vector.broadcast %select_n3A_361 : f32 to vector<16xf32>
      %mul3A_363 = arith.mulf %add3A_330, %mul3A_362 : vector<16xf32>
      %add3A_364 = arith.addf %mul3A_363, %get3A_136 : vector<16xf32>
      %sub3A_365 = arith.subi %while3A_311, %mul3A_32 : i32
      %swap3A = arith.index_cast %sub3A_365 : i32 to index
      %swap3A_366 = arith.constant 0 : index
      %swap3A_367 = tpu.vector_load %arg8[%swap3A, %swap3A_366] {strides = array<i32>} : memref<264x16xf32, #tpu.memory_space<vmem>>, vector<1x16xf32>,
      %swap3A_368 = vector.shape_cast %swap3A_367 : vector<1x16xf32> to vector<16xf32>
      %swap3A_369 = vector.shape_cast %add3A_364 : vector<16xf32> to vector<1x16xf32>
      tpu.vector_store %arg8[%swap3A, %swap3A_366], %swap3A_369 {strides = array<i32>} : memref<264x16xf32, #tpu.memory_space<vmem>>, vector<1x16xf32>,
      %sub3A_370 = arith.constant 5 : i32
      %sub3A_371 = arith.subi %while3A_311, %sub3A_370 : i32
      %jit3A_372 = arith.constant 0 : i32
      %jit3A_373 = arith.constant 511 : i32
      %max3A_374 = arith.maxsi %jit3A_372, %sub3A_371 : i32
      %min3A_375 = arith.minsi %jit3A_373, %max3A_374 : i32
      %ge3A_376 = arith.constant 1 : i32
      %ge3A_377 = arith.cmpi sge, %sub3A_371, %ge3A_376 : i32
      %le3A_378 = arith.cmpi sle, %sub3A_371, %max3A_106 : i32
      %and3A_379 = arith.andi %ge3A_377, %le3A_378 : i1
      %jit3A_380 = arith.constant 1.000000e+00 : f32
      %jit3A_381 = arith.constant 0.000000e+00 : f32
      %select_n3A_382 = arith.select %and3A_379, %jit3A_380, %jit3A_381 : f32
      %get3A_383 = arith.index_cast %min3A_375 : i32 to index
      %get3A_384 = arith.constant 0 : index
      %get3A_385 = tpu.vector_load %arg6[%get3A_383, %get3A_384] {strides = array<i32>} : memref<512x16xf32, #tpu.memory_space<vmem>>, vector<1x16xf32>,
      %get3A_386 = vector.shape_cast %get3A_385 : vector<1x16xf32> to vector<16xf32>
      %mul3A_387 = vector.broadcast %select_n3A_382 : f32 to vector<16xf32>
      %mul3A_388 = arith.mulf %get3A_386, %mul3A_387 : vector<16xf32>
      %sub3A_389 = arith.subf %add3A_330, %mul3A_388 : vector<16xf32>
      scf.yield %sub3A_389 : vector<16xf32>
    }
    %while3A_256 = arith.subi %min3A_112, %min3A : i32
    %while3A_257 = arith.addi %min3A, %while3A_256 : i32
    %while3A_258 = arith.constant 1 : i32
    %while3A_259 = arith.divsi %while3A_256, %while3A_258 : i32
    %while3A_260 = arith.muli %while3A_259, %while3A_258 : i32
    %while3A_261 = arith.addi %min3A, %while3A_260 : i32
    %while3A_262 = arith.constant 1 : i32
    %while3A_263 = scf.for %while3A_311 = %min3A to %while3A_261 step %while3A_262 iter_args(%while3A_312 = %while3A_255) -> (vector<16xf32>)  : i32 {
      %get3A_313 = arith.index_cast %while3A_311 : i32 to index
      %get3A_314 = arith.constant 0 : index
      %get3A_315 = tpu.vector_load %arg6[%get3A_313, %get3A_314] {strides = array<i32>} : memref<512x16xf32, #tpu.memory_space<vmem>>, vector<1x16xf32>,
      %get3A_316 = vector.shape_cast %get3A_315 : vector<1x16xf32> to vector<16xf32>
      %add3A_317 = arith.addf %while3A_312, %get3A_316 : vector<16xf32>
      %mul3A_318 = arith.constant 0.166666672 : f32
      %mul3A_319 = vector.broadcast %mul3A_318 : f32 to vector<16xf32>
      %mul3A_320 = arith.mulf %add3A_317, %mul3A_319 : vector<16xf32>
      %add3A_321 = arith.addf %mul3A_320, %get3A_136 : vector<16xf32>
      %sub3A_322 = arith.subi %while3A_311, %mul3A_32 : i32
      %swap3A = arith.index_cast %sub3A_322 : i32 to index
      %swap3A_323 = arith.constant 0 : index
      %swap3A_324 = tpu.vector_load %arg8[%swap3A, %swap3A_323] {strides = array<i32>} : memref<264x16xf32, #tpu.memory_space<vmem>>, vector<1x16xf32>,
      %swap3A_325 = vector.shape_cast %swap3A_324 : vector<1x16xf32> to vector<16xf32>
      %swap3A_326 = vector.shape_cast %add3A_321 : vector<16xf32> to vector<1x16xf32>
      tpu.vector_store %arg8[%swap3A, %swap3A_323], %swap3A_326 {strides = array<i32>} : memref<264x16xf32, #tpu.memory_space<vmem>>, vector<1x16xf32>,
      %sub3A_327 = arith.constant 5 : i32
      %sub3A_328 = arith.subi %while3A_311, %sub3A_327 : i32
      %get3A_329 = arith.index_cast %sub3A_328 : i32 to index
      %get3A_330 = arith.constant 0 : index
      %get3A_331 = tpu.vector_load %arg6[%get3A_329, %get3A_330] {strides = array<i32>} : memref<512x16xf32, #tpu.memory_space<vmem>>, vector<1x16xf32>,
      %get3A_332 = vector.shape_cast %get3A_331 : vector<1x16xf32> to vector<16xf32>
      %sub3A_333 = arith.subf %add3A_317, %get3A_332 : vector<16xf32>
      scf.yield %sub3A_333 : vector<16xf32>
    }
    %while3A_264 = arith.constant 1 : i32
    %while3A_265 = scf.for %while3A_311 = %while3A_261 to %while3A_257 step %while3A_264 iter_args(%while3A_312 = %while3A_263) -> (vector<16xf32>)  : i32 {
      %get3A_313 = arith.index_cast %while3A_311 : i32 to index
      %get3A_314 = arith.constant 0 : index
      %get3A_315 = tpu.vector_load %arg6[%get3A_313, %get3A_314] {strides = array<i32>} : memref<512x16xf32, #tpu.memory_space<vmem>>, vector<1x16xf32>,
      %get3A_316 = vector.shape_cast %get3A_315 : vector<1x16xf32> to vector<16xf32>
      %add3A_317 = arith.addf %while3A_312, %get3A_316 : vector<16xf32>
      %mul3A_318 = arith.constant 0.166666672 : f32
      %mul3A_319 = vector.broadcast %mul3A_318 : f32 to vector<16xf32>
      %mul3A_320 = arith.mulf %add3A_317, %mul3A_319 : vector<16xf32>
      %add3A_321 = arith.addf %mul3A_320, %get3A_136 : vector<16xf32>
      %sub3A_322 = arith.subi %while3A_311, %mul3A_32 : i32
      %swap3A = arith.index_cast %sub3A_322 : i32 to index
      %swap3A_323 = arith.constant 0 : index
      %swap3A_324 = tpu.vector_load %arg8[%swap3A, %swap3A_323] {strides = array<i32>} : memref<264x16xf32, #tpu.memory_space<vmem>>, vector<1x16xf32>,
      %swap3A_325 = vector.shape_cast %swap3A_324 : vector<1x16xf32> to vector<16xf32>
      %swap3A_326 = vector.shape_cast %add3A_321 : vector<16xf32> to vector<1x16xf32>
      tpu.vector_store %arg8[%swap3A, %swap3A_323], %swap3A_326 {strides = array<i32>} : memref<264x16xf32, #tpu.memory_space<vmem>>, vector<1x16xf32>,
      %sub3A_327 = arith.constant 5 : i32
      %sub3A_328 = arith.subi %while3A_311, %sub3A_327 : i32
      %get3A_329 = arith.index_cast %sub3A_328 : i32 to index
      %get3A_330 = arith.constant 0 : index
      %get3A_331 = tpu.vector_load %arg6[%get3A_329, %get3A_330] {strides = array<i32>} : memref<512x16xf32, #tpu.memory_space<vmem>>, vector<1x16xf32>,
      %get3A_332 = vector.shape_cast %get3A_331 : vector<1x16xf32> to vector<16xf32>
      %sub3A_333 = arith.subf %add3A_317, %get3A_332 : vector<16xf32>
      scf.yield %sub3A_333 : vector<16xf32>
    }
    %while3A_266 = arith.subi %min3A_122, %min3A_118 : i32
    %while3A_267 = arith.addi %min3A_118, %while3A_266 : i32
    %while3A_268 = arith.constant 1 : i32
    %while3A_269 = arith.divsi %while3A_266, %while3A_268 : i32
    %while3A_270 = arith.muli %while3A_269, %while3A_268 : i32
    %while3A_271 = arith.addi %min3A_118, %while3A_270 : i32
    %while3A_272 = arith.constant 1 : i32
    %while3A_273 = scf.for %while3A_311 = %min3A_118 to %while3A_271 step %while3A_272 iter_args(%while3A_312 = %while3A_265) -> (vector<16xf32>)  : i32 {
      %jit3A_313 = arith.constant 0 : i32
      %jit3A_314 = arith.constant 511 : i32
      %max3A_315 = arith.maxsi %jit3A_313, %while3A_311 : i32
      %min3A_316 = arith.minsi %jit3A_314, %max3A_315 : i32
      %ge3A_317 = arith.constant 1 : i32
      %ge3A_318 = arith.cmpi sge, %while3A_311, %ge3A_317 : i32
      %le3A_319 = arith.cmpi sle, %while3A_311, %max3A_106 : i32
      %and3A_320 = arith.andi %ge3A_318, %le3A_319 : i1
      %jit3A_321 = arith.constant 1.000000e+00 : f32
      %jit3A_322 = arith.constant 0.000000e+00 : f32
      %select_n3A_323 = arith.select %and3A_320, %jit3A_321, %jit3A_322 : f32
      %get3A_324 = arith.index_cast %min3A_316 : i32 to index
      %get3A_325 = arith.constant 0 : index
      %get3A_326 = tpu.vector_load %arg6[%get3A_324, %get3A_325] {strides = array<i32>} : memref<512x16xf32, #tpu.memory_space<vmem>>, vector<1x16xf32>,
      %get3A_327 = vector.shape_cast %get3A_326 : vector<1x16xf32> to vector<16xf32>
      %mul3A_328 = vector.broadcast %select_n3A_323 : f32 to vector<16xf32>
      %mul3A_329 = arith.mulf %get3A_327, %mul3A_328 : vector<16xf32>
      %add3A_330 = arith.addf %while3A_312, %mul3A_329 : vector<16xf32>
      %sub3A_331 = arith.constant 5 : i32
      %sub3A_332 = arith.subi %while3A_311, %sub3A_331 : i32
      %max3A_333 = arith.constant 1 : i32
      %max3A_334 = arith.maxsi %max3A_333, %sub3A_332 : i32
      %min3A_335 = arith.minsi %max3A_106, %while3A_311 : i32
      %sub3A_336 = arith.subi %min3A_335, %max3A_334 : i32
      %add3A_337 = arith.constant 1 : i32
      %add3A_338 = arith.addi %sub3A_336, %add3A_337 : i32
      %max3A_339 = arith.constant 1 : i32
      %max3A_340 = arith.maxsi %add3A_338, %max3A_339 : i32
      %eq3A_341 = arith.constant 2 : i32
      %eq3A_342 = arith.cmpi eq, %max3A_340, %eq3A_341 : i32
      %jit3A_343 = arith.constant 5.000000e-01 : f32
      %jit3A_344 = arith.constant 1.000000e+00 : f32
      %select_n3A_345 = arith.select %eq3A_342, %jit3A_343, %jit3A_344 : f32
      %eq3A_346 = arith.constant 3 : i32
      %eq3A_347 = arith.cmpi eq, %max3A_340, %eq3A_346 : i32
      %jit3A_348 = arith.constant 0.333333343 : f32
      %select_n3A_349 = arith.select %eq3A_347, %jit3A_348, %select_n3A_345 : f32
      %eq3A_350 = arith.constant 4 : i32
      %eq3A_351 = arith.cmpi eq, %max3A_340, %eq3A_350 : i32
      %jit3A_352 = arith.constant 2.500000e-01 : f32
      %select_n3A_353 = arith.select %eq3A_351, %jit3A_352, %select_n3A_349 : f32
      %eq3A_354 = arith.constant 5 : i32
      %eq3A_355 = arith.cmpi eq, %max3A_340, %eq3A_354 : i32
      %jit3A_356 = arith.constant 2.000000e-01 : f32
      %select_n3A_357 = arith.select %eq3A_355, %jit3A_356, %select_n3A_353 : f32
      %eq3A_358 = arith.constant 6 : i32
      %eq3A_359 = arith.cmpi eq, %max3A_340, %eq3A_358 : i32
      %jit3A_360 = arith.constant 0.166666672 : f32
      %select_n3A_361 = arith.select %eq3A_359, %jit3A_360, %select_n3A_357 : f32
      %mul3A_362 = vector.broadcast %select_n3A_361 : f32 to vector<16xf32>
      %mul3A_363 = arith.mulf %add3A_330, %mul3A_362 : vector<16xf32>
      %add3A_364 = arith.addf %mul3A_363, %get3A_136 : vector<16xf32>
      %sub3A_365 = arith.subi %while3A_311, %mul3A_32 : i32
      %swap3A = arith.index_cast %sub3A_365 : i32 to index
      %swap3A_366 = arith.constant 0 : index
      %swap3A_367 = tpu.vector_load %arg8[%swap3A, %swap3A_366] {strides = array<i32>} : memref<264x16xf32, #tpu.memory_space<vmem>>, vector<1x16xf32>,
      %swap3A_368 = vector.shape_cast %swap3A_367 : vector<1x16xf32> to vector<16xf32>
      %swap3A_369 = vector.shape_cast %add3A_364 : vector<16xf32> to vector<1x16xf32>
      tpu.vector_store %arg8[%swap3A, %swap3A_366], %swap3A_369 {strides = array<i32>} : memref<264x16xf32, #tpu.memory_space<vmem>>, vector<1x16xf32>,
      %sub3A_370 = arith.constant 5 : i32
      %sub3A_371 = arith.subi %while3A_311, %sub3A_370 : i32
      %jit3A_372 = arith.constant 0 : i32
      %jit3A_373 = arith.constant 511 : i32
      %max3A_374 = arith.maxsi %jit3A_372, %sub3A_371 : i32
      %min3A_375 = arith.minsi %jit3A_373, %max3A_374 : i32
      %ge3A_376 = arith.constant 1 : i32
      %ge3A_377 = arith.cmpi sge, %sub3A_371, %ge3A_376 : i32
      %le3A_378 = arith.cmpi sle, %sub3A_371, %max3A_106 : i32
      %and3A_379 = arith.andi %ge3A_377, %le3A_378 : i1
      %jit3A_380 = arith.constant 1.000000e+00 : f32
      %jit3A_381 = arith.constant 0.000000e+00 : f32
      %select_n3A_382 = arith.select %and3A_379, %jit3A_380, %jit3A_381 : f32
      %get3A_383 = arith.index_cast %min3A_375 : i32 to index
      %get3A_384 = arith.constant 0 : index
      %get3A_385 = tpu.vector_load %arg6[%get3A_383, %get3A_384] {strides = array<i32>} : memref<512x16xf32, #tpu.memory_space<vmem>>, vector<1x16xf32>,
      %get3A_386 = vector.shape_cast %get3A_385 : vector<1x16xf32> to vector<16xf32>
      %mul3A_387 = vector.broadcast %select_n3A_382 : f32 to vector<16xf32>
      %mul3A_388 = arith.mulf %get3A_386, %mul3A_387 : vector<16xf32>
      %sub3A_389 = arith.subf %add3A_330, %mul3A_388 : vector<16xf32>
      scf.yield %sub3A_389 : vector<16xf32>
    }
    %while3A_274 = arith.constant 1 : i32
    %while3A_275 = scf.for %while3A_311 = %while3A_271 to %while3A_267 step %while3A_274 iter_args(%while3A_312 = %while3A_273) -> (vector<16xf32>)  : i32 {
      %jit3A_313 = arith.constant 0 : i32
      %jit3A_314 = arith.constant 511 : i32
      %max3A_315 = arith.maxsi %jit3A_313, %while3A_311 : i32
      %min3A_316 = arith.minsi %jit3A_314, %max3A_315 : i32
      %ge3A_317 = arith.constant 1 : i32
      %ge3A_318 = arith.cmpi sge, %while3A_311, %ge3A_317 : i32
      %le3A_319 = arith.cmpi sle, %while3A_311, %max3A_106 : i32
      %and3A_320 = arith.andi %ge3A_318, %le3A_319 : i1
      %jit3A_321 = arith.constant 1.000000e+00 : f32
      %jit3A_322 = arith.constant 0.000000e+00 : f32
      %select_n3A_323 = arith.select %and3A_320, %jit3A_321, %jit3A_322 : f32
      %get3A_324 = arith.index_cast %min3A_316 : i32 to index
      %get3A_325 = arith.constant 0 : index
      %get3A_326 = tpu.vector_load %arg6[%get3A_324, %get3A_325] {strides = array<i32>} : memref<512x16xf32, #tpu.memory_space<vmem>>, vector<1x16xf32>,
      %get3A_327 = vector.shape_cast %get3A_326 : vector<1x16xf32> to vector<16xf32>
      %mul3A_328 = vector.broadcast %select_n3A_323 : f32 to vector<16xf32>
      %mul3A_329 = arith.mulf %get3A_327, %mul3A_328 : vector<16xf32>
      %add3A_330 = arith.addf %while3A_312, %mul3A_329 : vector<16xf32>
      %sub3A_331 = arith.constant 5 : i32
      %sub3A_332 = arith.subi %while3A_311, %sub3A_331 : i32
      %max3A_333 = arith.constant 1 : i32
      %max3A_334 = arith.maxsi %max3A_333, %sub3A_332 : i32
      %min3A_335 = arith.minsi %max3A_106, %while3A_311 : i32
      %sub3A_336 = arith.subi %min3A_335, %max3A_334 : i32
      %add3A_337 = arith.constant 1 : i32
      %add3A_338 = arith.addi %sub3A_336, %add3A_337 : i32
      %max3A_339 = arith.constant 1 : i32
      %max3A_340 = arith.maxsi %add3A_338, %max3A_339 : i32
      %eq3A_341 = arith.constant 2 : i32
      %eq3A_342 = arith.cmpi eq, %max3A_340, %eq3A_341 : i32
      %jit3A_343 = arith.constant 5.000000e-01 : f32
      %jit3A_344 = arith.constant 1.000000e+00 : f32
      %select_n3A_345 = arith.select %eq3A_342, %jit3A_343, %jit3A_344 : f32
      %eq3A_346 = arith.constant 3 : i32
      %eq3A_347 = arith.cmpi eq, %max3A_340, %eq3A_346 : i32
      %jit3A_348 = arith.constant 0.333333343 : f32
      %select_n3A_349 = arith.select %eq3A_347, %jit3A_348, %select_n3A_345 : f32
      %eq3A_350 = arith.constant 4 : i32
      %eq3A_351 = arith.cmpi eq, %max3A_340, %eq3A_350 : i32
      %jit3A_352 = arith.constant 2.500000e-01 : f32
      %select_n3A_353 = arith.select %eq3A_351, %jit3A_352, %select_n3A_349 : f32
      %eq3A_354 = arith.constant 5 : i32
      %eq3A_355 = arith.cmpi eq, %max3A_340, %eq3A_354 : i32
      %jit3A_356 = arith.constant 2.000000e-01 : f32
      %select_n3A_357 = arith.select %eq3A_355, %jit3A_356, %select_n3A_353 : f32
      %eq3A_358 = arith.constant 6 : i32
      %eq3A_359 = arith.cmpi eq, %max3A_340, %eq3A_358 : i32
      %jit3A_360 = arith.constant 0.166666672 : f32
      %select_n3A_361 = arith.select %eq3A_359, %jit3A_360, %select_n3A_357 : f32
      %mul3A_362 = vector.broadcast %select_n3A_361 : f32 to vector<16xf32>
      %mul3A_363 = arith.mulf %add3A_330, %mul3A_362 : vector<16xf32>
      %add3A_364 = arith.addf %mul3A_363, %get3A_136 : vector<16xf32>
      %sub3A_365 = arith.subi %while3A_311, %mul3A_32 : i32
      %swap3A = arith.index_cast %sub3A_365 : i32 to index
      %swap3A_366 = arith.constant 0 : index
      %swap3A_367 = tpu.vector_load %arg8[%swap3A, %swap3A_366] {strides = array<i32>} : memref<264x16xf32, #tpu.memory_space<vmem>>, vector<1x16xf32>,
      %swap3A_368 = vector.shape_cast %swap3A_367 : vector<1x16xf32> to vector<16xf32>
      %swap3A_369 = vector.shape_cast %add3A_364 : vector<16xf32> to vector<1x16xf32>
      tpu.vector_store %arg8[%swap3A, %swap3A_366], %swap3A_369 {strides = array<i32>} : memref<264x16xf32, #tpu.memory_space<vmem>>, vector<1x16xf32>,
      %sub3A_370 = arith.constant 5 : i32
      %sub3A_371 = arith.subi %while3A_311, %sub3A_370 : i32
      %jit3A_372 = arith.constant 0 : i32
      %jit3A_373 = arith.constant 511 : i32
      %max3A_374 = arith.maxsi %jit3A_372, %sub3A_371 : i32
      %min3A_375 = arith.minsi %jit3A_373, %max3A_374 : i32
      %ge3A_376 = arith.constant 1 : i32
      %ge3A_377 = arith.cmpi sge, %sub3A_371, %ge3A_376 : i32
      %le3A_378 = arith.cmpi sle, %sub3A_371, %max3A_106 : i32
      %and3A_379 = arith.andi %ge3A_377, %le3A_378 : i1
      %jit3A_380 = arith.constant 1.000000e+00 : f32
      %jit3A_381 = arith.constant 0.000000e+00 : f32
      %select_n3A_382 = arith.select %and3A_379, %jit3A_380, %jit3A_381 : f32
      %get3A_383 = arith.index_cast %min3A_375 : i32 to index
      %get3A_384 = arith.constant 0 : index
      %get3A_385 = tpu.vector_load %arg6[%get3A_383, %get3A_384] {strides = array<i32>} : memref<512x16xf32, #tpu.memory_space<vmem>>, vector<1x16xf32>,
      %get3A_386 = vector.shape_cast %get3A_385 : vector<1x16xf32> to vector<16xf32>
      %mul3A_387 = vector.broadcast %select_n3A_382 : f32 to vector<16xf32>
      %mul3A_388 = arith.mulf %get3A_386, %mul3A_387 : vector<16xf32>
      %sub3A_389 = arith.subf %add3A_330, %mul3A_388 : vector<16xf32>
      scf.yield %sub3A_389 : vector<16xf32>
    }
    %while3A_276 = arith.subi %add3A_34, %min3A_126 : i32
    %while3A_277 = arith.addi %min3A_126, %while3A_276 : i32
    %while3A_278 = arith.constant 1 : i32
    %while3A_279 = arith.divsi %while3A_276, %while3A_278 : i32
    %while3A_280 = arith.muli %while3A_279, %while3A_278 : i32
    %while3A_281 = arith.addi %min3A_126, %while3A_280 : i32
    %while3A_282 = arith.constant 1 : i32
    scf.for %while3A_311 = %min3A_126 to %while3A_281 step %while3A_282  : i32 {
      %sub3A_312 = arith.subi %while3A_311, %mul3A_32 : i32
      %swap3A = arith.index_cast %sub3A_312 : i32 to index
      %swap3A_313 = arith.constant 0 : index
      %swap3A_314 = tpu.vector_load %arg8[%swap3A, %swap3A_313] {strides = array<i32>} : memref<264x16xf32, #tpu.memory_space<vmem>>, vector<1x16xf32>,
      %swap3A_315 = vector.shape_cast %swap3A_314 : vector<1x16xf32> to vector<16xf32>
      %swap3A_316 = vector.shape_cast %get3A_136 : vector<16xf32> to vector<1x16xf32>
      tpu.vector_store %arg8[%swap3A, %swap3A_313], %swap3A_316 {strides = array<i32>} : memref<264x16xf32, #tpu.memory_space<vmem>>, vector<1x16xf32>,
    }
    %while3A_283 = arith.constant 1 : i32
    scf.for %while3A_311 = %while3A_281 to %while3A_277 step %while3A_283  : i32 {
      %sub3A_312 = arith.subi %while3A_311, %mul3A_32 : i32
      %swap3A = arith.index_cast %sub3A_312 : i32 to index
      %swap3A_313 = arith.constant 0 : index
      %swap3A_314 = tpu.vector_load %arg8[%swap3A, %swap3A_313] {strides = array<i32>} : memref<264x16xf32, #tpu.memory_space<vmem>>, vector<1x16xf32>,
      %swap3A_315 = vector.shape_cast %swap3A_314 : vector<1x16xf32> to vector<16xf32>
      %swap3A_316 = vector.shape_cast %get3A_136 : vector<16xf32> to vector<1x16xf32>
      tpu.vector_store %arg8[%swap3A, %swap3A_313], %swap3A_316 {strides = array<i32>} : memref<264x16xf32, #tpu.memory_space<vmem>>, vector<1x16xf32>,
    }
    %eq3A_284 = arith.constant 0 : i32
    %eq3A_285 = arith.cmpi eq, %select_n3A_30, %eq3A_284 : i32
    %convert_element_type3A = arith.extui %eq3A_285 : i1 to i32
    %cond3A = arith.constant 0 : i32
    %cond3A_286 = arith.cmpi ne, %convert_element_type3A, %cond3A : i32
    scf.if %cond3A_286 {
      %get3A_311 = arith.constant 0 : i32
      %get3A_312 = arith.index_cast %get3A_311 : i32 to index
      %get3A_313 = arith.constant 0 : index
      %get3A_314 = tpu.vector_load %arg6[%get3A_312, %get3A_313] {strides = array<i32>} : memref<512x16xf32, #tpu.memory_space<vmem>>, vector<1x16xf32>,
      %get3A_315 = vector.shape_cast %get3A_314 : vector<1x16xf32> to vector<16xf32>
      %add3A_316 = arith.addf %get3A_315, %get3A_136 : vector<16xf32>
      %swap3A = arith.constant 0 : i32
      %swap3A_317 = arith.index_cast %swap3A : i32 to index
      %swap3A_318 = arith.constant 0 : index
      %swap3A_319 = tpu.vector_load %arg8[%swap3A_317, %swap3A_318] {strides = array<i32>} : memref<264x16xf32, #tpu.memory_space<vmem>>, vector<1x16xf32>,
      %swap3A_320 = vector.shape_cast %swap3A_319 : vector<1x16xf32> to vector<16xf32>
      %swap3A_321 = vector.shape_cast %add3A_316 : vector<16xf32> to vector<1x16xf32>
      tpu.vector_store %arg8[%swap3A_317, %swap3A_318], %swap3A_321 {strides = array<i32>} : memref<264x16xf32, #tpu.memory_space<vmem>>, vector<1x16xf32>,
    } else {
    }
    %ge3A_287 = arith.constant 1 : i32
    %ge3A_288 = arith.cmpi sge, %add3A_103, %ge3A_287 : i32
    %sub3A_289 = arith.constant 1 : i32
    %sub3A_290 = arith.subi %add3A_103, %sub3A_289 : i32
    %jit3A_291 = arith.constant 511 : i32
    %select_n3A_292 = arith.select %ge3A_288, %sub3A_290, %jit3A_291 : i32
    %add3A_293 = arith.constant 4 : i32
    %add3A_294 = arith.addi %add3A_103, %add3A_293 : i32
    %ge3A_295 = arith.cmpi sge, %add3A_294, %mul3A_32 : i32
    %lt3A_296 = arith.cmpi slt, %add3A_294, %add3A_34 : i32
    %and3A_297 = arith.andi %ge3A_295, %lt3A_296 : i1
    %convert_element_type3A_298 = arith.extui %and3A_297 : i1 to i32
    %cond3A_299 = arith.constant 0 : i32
    %cond3A_300 = arith.cmpi ne, %convert_element_type3A_298, %cond3A_299 : i32
    scf.if %cond3A_300 {
      %get3A_311 = arith.index_cast %select_n3A_292 : i32 to index
      %get3A_312 = arith.constant 0 : index
      %get3A_313 = tpu.vector_load %arg6[%get3A_311, %get3A_312] {strides = array<i32>} : memref<512x16xf32, #tpu.memory_space<vmem>>, vector<1x16xf32>,
      %get3A_314 = vector.shape_cast %get3A_313 : vector<1x16xf32> to vector<16xf32>
      %add3A_315 = arith.addf %get3A_314, %get3A_136 : vector<16xf32>
      %sub3A_316 = arith.subi %add3A_294, %mul3A_32 : i32
      %swap3A = arith.index_cast %sub3A_316 : i32 to index
      %swap3A_317 = arith.constant 0 : index
      %swap3A_318 = tpu.vector_load %arg8[%swap3A, %swap3A_317] {strides = array<i32>} : memref<264x16xf32, #tpu.memory_space<vmem>>, vector<1x16xf32>,
      %swap3A_319 = vector.shape_cast %swap3A_318 : vector<1x16xf32> to vector<16xf32>
      %swap3A_320 = vector.shape_cast %add3A_315 : vector<16xf32> to vector<1x16xf32>
      tpu.vector_store %arg8[%swap3A, %swap3A_317], %swap3A_320 {strides = array<i32>} : memref<264x16xf32, #tpu.memory_space<vmem>>, vector<1x16xf32>,
    } else {
    }
    %eq3A_301 = arith.constant 0 : i32
    %eq3A_302 = arith.cmpi eq, %select_n3A_30, %eq3A_301 : i32
    %convert_element_type3A_303 = arith.extui %eq3A_302 : i1 to i32
    %cond3A_304 = arith.constant 0 : i32
    %cond3A_305 = arith.cmpi ne, %convert_element_type3A_303, %cond3A_304 : i32
    scf.if %cond3A_305 {
      "tpu.region"() ({
        %run_scoped3A = tpu.sem_alloc : memref<!tpu.dma_semaphore, #tpu.memory_space<semaphore_mem>>
        %dma_start3A_311 = arith.constant 0 : i32
        %dma_start3A_312 = arith.constant 0 : i32
        %dma_start3A_313 = tpu.memref_slice %arg5[%select_n3A, %dma_start3A_311, %dma_start3A_312] : memref<16x517x16xf32, #tpu.memory_space<hbm>> -> memref<1x264x16xf32, #tpu.memory_space<hbm>>
        %dma_start3A_314 = tpu.memref_squeeze %dma_start3A_313 : memref<1x264x16xf32, #tpu.memory_space<hbm>> -> memref<264x16xf32, #tpu.memory_space<hbm>>
        %dma_start3A_315 = arith.constant 0 : i32
        %dma_start3A_316 = arith.constant 0 : i32
        %dma_start3A_317 = tpu.memref_slice %arg5[%select_n3A, %dma_start3A_315, %dma_start3A_316] : memref<16x517x16xf32, #tpu.memory_space<hbm>> -> memref<1x264x16xf32, #tpu.memory_space<hbm>>
        %dma_start3A_318 = tpu.memref_squeeze %dma_start3A_317 : memref<1x264x16xf32, #tpu.memory_space<hbm>> -> memref<264x16xf32, #tpu.memory_space<hbm>>
        tpu.enqueue_dma source(%arg8 : memref<264x16xf32, #tpu.memory_space<vmem>>) target(%dma_start3A_318 : memref<264x16xf32, #tpu.memory_space<hbm>>) target_semaphore(%run_scoped3A : memref<!tpu.dma_semaphore, #tpu.memory_space<semaphore_mem>>)
        %dma_wait3A_319 = arith.constant 0 : i32
        %dma_wait3A_320 = arith.constant 0 : i32
        %dma_wait3A_321 = tpu.memref_slice %arg5[%select_n3A, %dma_wait3A_319, %dma_wait3A_320] : memref<16x517x16xf32, #tpu.memory_space<hbm>> -> memref<1x264x16xf32, #tpu.memory_space<hbm>>
        %dma_wait3A_322 = tpu.memref_squeeze %dma_wait3A_321 : memref<1x264x16xf32, #tpu.memory_space<hbm>> -> memref<264x16xf32, #tpu.memory_space<hbm>>
        %dma_wait3A_323 = arith.constant 0 : i32
        %dma_wait3A_324 = arith.constant 0 : i32
        %dma_wait3A_325 = tpu.memref_slice %arg5[%select_n3A, %dma_wait3A_323, %dma_wait3A_324] : memref<16x517x16xf32, #tpu.memory_space<hbm>> -> memref<1x264x16xf32, #tpu.memory_space<hbm>>
        %dma_wait3A_326 = tpu.memref_squeeze %dma_wait3A_325 : memref<1x264x16xf32, #tpu.memory_space<hbm>> -> memref<264x16xf32, #tpu.memory_space<hbm>>
        tpu.wait_dma2 semaphore(%run_scoped3A : memref<!tpu.dma_semaphore, #tpu.memory_space<semaphore_mem>>) src(%arg8 : memref<264x16xf32, #tpu.memory_space<vmem>>) dst(%dma_wait3A_326 : memref<264x16xf32, #tpu.memory_space<hbm>>)
        tpu.yield
      }) : () -> ()
    } else {
    }
    %eq3A_306 = arith.constant 1 : i32
    %eq3A_307 = arith.cmpi eq, %select_n3A_30, %eq3A_306 : i32
    %convert_element_type3A_308 = arith.extui %eq3A_307 : i1 to i32
    %cond3A_309 = arith.constant 0 : i32
    %cond3A_310 = arith.cmpi ne, %convert_element_type3A_308, %cond3A_309 : i32
    scf.if %cond3A_310 {
      "tpu.region"() ({
        %run_scoped3A = tpu.sem_alloc : memref<!tpu.dma_semaphore, #tpu.memory_space<semaphore_mem>>
        %dma_start3A_311 = arith.constant 0 : i32
        %dma_start3A_312 = arith.constant 0 : i32
        %dma_start3A_313 = tpu.memref_slice %arg8[%dma_start3A_311, %dma_start3A_312] : memref<264x16xf32, #tpu.memory_space<vmem>> -> memref<253x16xf32, #tpu.memory_space<vmem>>
        %dma_start3A_314 = arith.constant 264 : i32
        %dma_start3A_315 = arith.constant 0 : i32
        %dma_start3A_316 = tpu.memref_slice %arg5[%select_n3A, %dma_start3A_314, %dma_start3A_315] : memref<16x517x16xf32, #tpu.memory_space<hbm>> -> memref<1x253x16xf32, #tpu.memory_space<hbm>>
        %dma_start3A_317 = tpu.memref_squeeze %dma_start3A_316 : memref<1x253x16xf32, #tpu.memory_space<hbm>> -> memref<253x16xf32, #tpu.memory_space<hbm>>
        %dma_start3A_318 = arith.constant 264 : i32
        %dma_start3A_319 = arith.constant 0 : i32
        %dma_start3A_320 = tpu.memref_slice %arg5[%select_n3A, %dma_start3A_318, %dma_start3A_319] : memref<16x517x16xf32, #tpu.memory_space<hbm>> -> memref<1x253x16xf32, #tpu.memory_space<hbm>>
        %dma_start3A_321 = tpu.memref_squeeze %dma_start3A_320 : memref<1x253x16xf32, #tpu.memory_space<hbm>> -> memref<253x16xf32, #tpu.memory_space<hbm>>
        %dma_start3A_322 = arith.constant 0 : i32
        %dma_start3A_323 = arith.constant 0 : i32
        %dma_start3A_324 = tpu.memref_slice %arg8[%dma_start3A_322, %dma_start3A_323] : memref<264x16xf32, #tpu.memory_space<vmem>> -> memref<253x16xf32, #tpu.memory_space<vmem>>
        tpu.enqueue_dma source(%dma_start3A_324 : memref<253x16xf32, #tpu.memory_space<vmem>>) target(%dma_start3A_321 : memref<253x16xf32, #tpu.memory_space<hbm>>) target_semaphore(%run_scoped3A : memref<!tpu.dma_semaphore, #tpu.memory_space<semaphore_mem>>)
        %dma_wait3A_325 = arith.constant 0 : i32
        %dma_wait3A_326 = arith.constant 0 : i32
        %dma_wait3A_327 = tpu.memref_slice %arg8[%dma_wait3A_325, %dma_wait3A_326] : memref<264x16xf32, #tpu.memory_space<vmem>> -> memref<253x16xf32, #tpu.memory_space<vmem>>
        %dma_wait3A_328 = arith.constant 264 : i32
        %dma_wait3A_329 = arith.constant 0 : i32
        %dma_wait3A_330 = tpu.memref_slice %arg5[%select_n3A, %dma_wait3A_328, %dma_wait3A_329] : memref<16x517x16xf32, #tpu.memory_space<hbm>> -> memref<1x253x16xf32, #tpu.memory_space<hbm>>
        %dma_wait3A_331 = tpu.memref_squeeze %dma_wait3A_330 : memref<1x253x16xf32, #tpu.memory_space<hbm>> -> memref<253x16xf32, #tpu.memory_space<hbm>>
        %dma_wait3A_332 = arith.constant 264 : i32
        %dma_wait3A_333 = arith.constant 0 : i32
        %dma_wait3A_334 = tpu.memref_slice %arg5[%select_n3A, %dma_wait3A_332, %dma_wait3A_333] : memref<16x517x16xf32, #tpu.memory_space<hbm>> -> memref<1x253x16xf32, #tpu.memory_space<hbm>>
        %dma_wait3A_335 = tpu.memref_squeeze %dma_wait3A_334 : memref<1x253x16xf32, #tpu.memory_space<hbm>> -> memref<253x16xf32, #tpu.memory_space<hbm>>
        %dma_wait3A_336 = arith.constant 0 : i32
        %dma_wait3A_337 = arith.constant 0 : i32
        %dma_wait3A_338 = tpu.memref_slice %arg8[%dma_wait3A_336, %dma_wait3A_337] : memref<264x16xf32, #tpu.memory_space<vmem>> -> memref<253x16xf32, #tpu.memory_space<vmem>>
        tpu.wait_dma2 semaphore(%run_scoped3A : memref<!tpu.dma_semaphore, #tpu.memory_space<semaphore_mem>>) src(%dma_wait3A_338 : memref<253x16xf32, #tpu.memory_space<vmem>>) dst(%dma_wait3A_335 : memref<253x16xf32, #tpu.memory_space<hbm>>)
        tpu.yield
      }) : () -> ()
    } else {
    }
    return
  }
}

module attributes {stable_mosaic.version = 14 : i64} {
  func.func @_proj_kernel(%arg0: i32, %arg1: memref<8x512x768xf32, #tpu.memory_space<vmem>>, %arg2: memref<768x16xf32, #tpu.memory_space<vmem>>, %arg3: memref<8x512x16xf32, #tpu.memory_space<vmem>>) attributes {dimension_semantics = [#tpu.dimension_semantics<arbitrary>], iteration_bounds = array<i64: 2>, scalar_prefetch = 0 : i64, scratch_operands = 0 : i64, tpu.core_type = #tpu.core_type<tc>, window_params = [{transform_indices = @transform_0, window_bounds = array<i64: 8, 512, 768>}, {pipeline_mode = #tpu.pipeline_mode<synchronous>, transform_indices = @transform_1, window_bounds = array<i64: 768, 16>}, {transform_indices = @transform_2, window_bounds = array<i64: 8, 512, 16>}]} {
    %get3A = arith.constant 0 : index
    %get3A_0 = arith.constant 0 : index
    %get3A_1 = arith.constant 0 : index
    %get3A_2 = vector.load %arg1[%get3A, %get3A_0, %get3A_1] : memref<8x512x768xf32, #tpu.memory_space<vmem>>, vector<8x512x768xf32>
    %reshape3A = vector.shape_cast %get3A_2 : vector<8x512x768xf32> to vector<4096x768xf32>
    %get3A_3 = arith.constant 0 : index
    %get3A_4 = arith.constant 0 : index
    %get3A_5 = vector.load %arg2[%get3A_3, %get3A_4] : memref<768x16xf32, #tpu.memory_space<vmem>>, vector<768x16xf32>
    %dot_general3A = arith.constant dense<0.000000e+00> : vector<4096x16xf32>
    %dot_general3A_6 = tpu.matmul %reshape3A, %get3A_5, %dot_general3A {dimension_numbers = #tpu.dot_dimension_numbers<[1], [0], [0], [1], [0, 0, 1, 1], [], []>, transpose_lhs_hint = false} : vector<4096x768xf32>, vector<768x16xf32>, vector<4096x16xf32> -> vector<4096x16xf32>
    %reshape3A_7 = vector.shape_cast %dot_general3A_6 : vector<4096x16xf32> to vector<8x512x16xf32>
    %swap3A = arith.constant 0 : index
    %swap3A_8 = arith.constant 0 : index
    %swap3A_9 = arith.constant 0 : index
    %swap3A_10 = vector.load %arg3[%swap3A, %swap3A_8, %swap3A_9] : memref<8x512x16xf32, #tpu.memory_space<vmem>>, vector<8x512x16xf32>
    tpu.vector_store %arg3[%swap3A, %swap3A_8, %swap3A_9], %reshape3A_7 {strides = array<i32>} : memref<8x512x16xf32, #tpu.memory_space<vmem>>, vector<8x512x16xf32>,
    return
  }
  func.func @transform_0(%arg0: i32) -> (i32, i32, i32) {
    %c0_i32 = arith.constant 0 : i32
    %c0_i32_0 = arith.constant 0 : i32
    %c0_i32_1 = arith.constant 0 : i32
    return %arg0, %c0_i32, %c0_i32_0 : i32, i32, i32
  }
  func.func @transform_1(%arg0: i32) -> (i32, i32) {
    %c0_i32 = arith.constant 0 : i32
    %c0_i32_0 = arith.constant 0 : i32
    %c0_i32_1 = arith.constant 0 : i32
    return %c0_i32, %c0_i32_0 : i32, i32
  }
  func.func @transform_2(%arg0: i32) -> (i32, i32, i32) {
    %c0_i32 = arith.constant 0 : i32
    %c0_i32_0 = arith.constant 0 : i32
    %c0_i32_1 = arith.constant 0 : i32
    return %arg0, %c0_i32, %c0_i32_0 : i32, i32, i32
  }
}

</mosaic_0001>

<sc_bundles>
// kernel: kernel.4.cloned.1.call-start
scs
__scs_entry_jumppad:
0x0: {  	(pc) =	sbr.rel $0x88, $3  }
0x1: {  	(tag) =	ssettag $0x0;
	lr =	simm.s32 $0x1  }
0x2: {  	[smem:$0x3F9D] =	sst lr;
	_ =	strace $0xD0000000  }
0x3: {  	_ = 	snop  }
0x4: {  	_ = 	snop  }
0x5: {  	_ = 	snop  }
0x6: {  	_ = 	snop  }
0x7: {  	_ = 	snop  }
__scs_overlays_trampoline_lowered:
0x8: {  	[smem:$0x3FAC] =	sst s0  }
0x9: {  	[smem:$0x3FAD] =	sst s1  }
0xa: {  	[smem:$0x3FAE] =	sst s2  }
0xb: {  	[smem:$0x3FAF] =	sst s3  }
0xc: {  	[smem:$0x3FB0] =	sst s4  }
0xd: {  	[smem:$0x3FB1] =	sst s5  }
0xe: {  	[smem:$0x3FB2] =	sst s6  }
0xf: {  	[smem:$0x3FB3] =	sst s7  }
0x10: {  	[smem:$0x3FB4] =	sst s8  }
0x11: {  	[smem:$0x3FB5] =	sst s9;
	s0 =	simm.s32 @!p0 $0x0  }
0x12: {  	s1 =	sld [smem:$0x3F9B];
	s0 =	simm.s32 @p0 $0x1  }
0x13: {  	[smem:$0x3FB6] =	sst s0;
	s0 =	simm.s32 @!p1 $0x0  }
0x14: {  	s2 =	sld [smem:$0x3F9A];
	s0 =	simm.s32 @p1 $0x1  }
0x15: {  	[smem:$0x3FB7] =	sst s0;
	s0 =	simm.s32 @!p2 $0x0  }
0x16: {  	s3 =	sld [smem:$0x3FDB];
	s0 =	simm.s32 @p2 $0x1  }
0x17: {  	s4 =	simm.s32 $0x1BF5;
	[smem:$0x3FB9] =	sst s0  }
0x18: {  	s0 =	sld [smem:$0x3F9C];
	_ =	swait.ge [sflag:s4], $0x0  }
0x19: {  	s7 =	sld [smem:$0x3F9D]  }
0x1a: {  	s8 =	sadd.s32 $0xFFFFE003, lr  }
0x1b: {  	s9 =	sadd.s32 $0xFFFFFEF7, lr;
	s5 =	simm.s32 $0xFFFFFFFF;
	p2 =	slt.u32 s8, $0xFFFFF086  }
0x1c: {  	p1 =	slt.u32 s9, $0xF7A;
	s5 =	simm.s32 @!p2 $0x0  }
0x1d: {  	s5 =	simm.s32 @p1 $0x1;
	p0 =	seq.s32 s7, s2  }
0x1e: {  	s7 =	smul.u32 @!p0 $0xF7A, s2;
	p2 =	seq.s32 @!p0 s5, $0x0  }
0x1f: {  	s9 =	smul.u32 $0xF7A, s1;
	s8 =	simm.s32 @!p0 $0x1BF5;
	p2 =	por !p2, p0  }
0x20: {  	[sflag:s8] =	ssyncset.s32 @!p0 $0xFFFFF086;
	s6 =	sadd.s32 @!p0 s3, s7;
	s7 =	simm.s32 @!p0 $0x108  }
0x21: {  	s3 =	sadd.s32 s3, s9;
	s6 =	sadd.s32 @!p0 $0x88, s6;
	s7 =	simm.s32 @p2 $0x1082  }
0x22: {  	[simem:s7], [sflag:s8] =	dma.local @!p0 [hbm:s6], $0xF7A  }
0x23: {  	s9 =	sor.u32 $0xD0000000, s2;
	s6 =	simm.s32 $0x108;
	_ =	swait.ge @!p0 [sflag:s8], $0x0  }
0x24: {  	s3 =	sadd.s32 $0x88, s3;
	s6 =	simm.s32 @!p1 $0x1082;
	[sflag:s4] =	ssyncset.s32 $0xFFFFF086  }
0x25: {  	[simem:s6], [sflag:s4] =	dma.local [hbm:s3], $0xF7A  }
0x26: {  	[smem:$0x3F9D] =	sst s1;
	(tag) =	ssettag s2;
	_ =	strace s9  }
0x27: {  	s1 =	sld [smem:$0x3FAD]  }
0x28: {  	s2 =	sld [smem:$0x3FAE]  }
0x29: {  	s4 =	sld [smem:$0x3FB0]  }
0x2a: {  	p0 =	seq.s32 s5, $0x0;
	s5 =	sld [smem:$0x3FB1]  }
0x2b: {  	s6 =	sld [smem:$0x3FB2]  }
0x2c: {  	s7 =	sld [smem:$0x3FB3]  }
0x2d: {  	s3 =	simm.s32 $0x108;
	s8 =	sld [smem:$0x3FB4]  }
0x2e: {  	s3 =	simm.s32 @!p0 $0x1082;
	s9 =	sld [smem:$0x3FB5]  }
0x2f: {  	lr =	sadd.s32 s0, s3;
	s0 =	sld [smem:$0x3FAC]  }
0x30: {  	s3 =	sld [smem:$0x3FAF]  }
0x31: {  	[smem:$0x3FB8] =	sst s10  }
0x32: {  	s10 =	sld [smem:$0x3FB6];
	_ =	sdelay $0x3  }
0x33: {  	p0 =	seq.s32 s10, $0x1;
	s10 =	sld [smem:$0x3FB8];
	_ =	sdelay $0x3  }
0x34: {  	[smem:$0x3FB8] =	sst s10  }
0x35: {  	s10 =	sld [smem:$0x3FB7];
	_ =	sdelay $0x3  }
0x36: {  	p1 =	seq.s32 s10, $0x1;
	s10 =	sld [smem:$0x3FB8];
	_ =	sdelay $0x3  }
0x37: {  	[smem:$0x3FB8] =	sst s10  }
0x38: {  	s10 =	sld [smem:$0x3FB9]  }
0x39: {  	_ = 	snop;
	(pc) =	sbr.ind lr, $3  }
0x3a: {  	_ = 	snop  }
0x3b: {  	_ = 	snop  }
0x3c: {  	p2 =	seq.s32 s10, $0x1;
	s10 =	sld [smem:$0x3FB8]  }
0x3d: {  	_ =	shalt  }
0x3e: {  	_ =	shalt  }
0x3f: {  	_ =	shalt  }
0x40: {  	_ =	shalt  }
0x41: {  	_ =	shalt  }
0x42: {  	_ =	shalt  }
0x43: {  	_ =	shalt  }
0x44: {  	_ =	shalt  }
0x45: {  	_ =	shalt  }
0x46: {  	_ =	shalt  }
0x47: {  	_ =	shalt  }
0x48: {  	_ =	shalt  }
0x49: {  	_ =	shalt  }
0x4a: {  	_ =	shalt  }
0x4b: {  	_ =	shalt  }
0x4c: {  	_ =	shalt  }
0x4d: {  	_ =	shalt  }
0x4e: {  	_ =	shalt  }
0x4f: {  	_ =	shalt  }
0x50: {  	_ =	shalt  }
0x51: {  	_ =	shalt  }
0x52: {  	_ =	shalt  }
0x53: {  	_ =	shalt  }
0x54: {  	_ =	shalt  }
0x55: {  	_ =	shalt  }
0x56: {  	_ =	shalt  }
0x57: {  	_ =	shalt  }
0x58: {  	_ =	shalt  }
0x59: {  	_ =	shalt  }
0x5a: {  	_ =	shalt  }
0x5b: {  	_ =	shalt  }
0x5c: {  	_ =	shalt  }
0x5d: {  	_ =	shalt  }
0x5e: {  	_ =	shalt  }
0x5f: {  	_ =	shalt  }
0x60: {  	_ =	shalt  }
0x61: {  	_ =	shalt  }
0x62: {  	_ =	shalt  }
0x63: {  	_ =	shalt  }
0x64: {  	_ =	shalt  }
0x65: {  	_ =	shalt  }
0x66: {  	_ =	shalt  }
0x67: {  	_ =	shalt  }
0x68: {  	_ =	shalt  }
0x69: {  	_ =	shalt  }
0x6a: {  	_ =	shalt  }
0x6b: {  	_ =	shalt  }
0x6c: {  	_ =	shalt  }
0x6d: {  	_ =	shalt  }
0x6e: {  	_ =	shalt  }
0x6f: {  	_ =	shalt  }
0x70: {  	_ =	shalt  }
0x71: {  	_ =	shalt  }
0x72: {  	_ =	shalt  }
0x73: {  	_ =	shalt  }
0x74: {  	_ =	shalt  }
0x75: {  	_ =	shalt  }
0x76: {  	_ =	shalt  }
0x77: {  	_ =	shalt  }
0x78: {  	_ =	shalt  }
0x79: {  	_ =	shalt  }
0x7a: {  	_ =	shalt  }
0x7b: {  	_ =	shalt  }
0x7c: {  	_ =	shalt  }
0x7d: {  	_ =	shalt  }
0x7e: {  	_ =	shalt  }
0x7f: {  	_ =	shalt  }
0x80: {  	_ =	shalt  }
0x81: {  	_ =	shalt  }
0x82: {  	_ =	shalt  }
0x83: {  	_ =	shalt  }
0x84: {  	_ =	shalt  }
0x85: {  	_ =	shalt  }
0x86: {  	_ =	shalt  }
0x87: {  	_ =	shalt  }
.Lfunc_end0:
.L_simem_size_0:
called_computation_lowered:
.L_overlay_start_0:
0x88: {  	s2 =	sld [smem:$0x3FD9]  }
0x89: {  	s3 =	sld [smem:$0x3FFE];
	_ =	sdelay $0x1  }
0x8a: {  	s1 =	srdreg.scid  }
0x8b: {  	s0 =	sand.u32 $0x1, s1  }
0x8c: {  	s17 =	sshll.u32 s0, $0xA;
	s2 =	sadd.s32 s3, s2  }
0x8d: {  	s2 =	sadd.s32 s2, s17  }
0x8e: {  	[smem:$0x3FC4] =	sst s2  }
0x8f: {  	_ = 	snop  }
0x90: {  	s2 =	sld [smem:$0x3FC8]  }
0x91: {  	s18 =	sld [smem:$0x3FC6];
	(tm) =	ssettm $0x1  }
0x92: {  	s4 =	sld [smem:$0x3FFB];
	_ =	sdelay $0x3  }
0x93: {  	_ =	strace s4  }
0x94: {  	s4 =	sld [smem:$0x3FFC];
	_ =	sdelay $0x3  }
0x95: {  	_ =	strace s4  }
0x96: {  	s4 =	sld [smem:$0x3FFD];
	_ =	sdelay $0x3  }
0x97: {  	_ =	strace s4  }
0x98: {  	_ =	strace $0x8FFFFFFF  }
0x99: {  	s19 =	sld [smem:$0x3FDB];
	_ =	sdelay $0x1  }
0x9a: {  	s5 =	simm.s32 $_scs_section_size  }
0x9b: {  	s6 =	simm.s32 $_size__tile_overlayer_lowered;
	s7 =	simm.s32 $_tile_overlayer_lowered  }
0x9c: {  	s22 =	simm.s32 $0x1BFF;
	s21 =	sshll.u32 s7, $0x1;
	s4 =	sadd.s32 s5, s19  }
0x9d: {  	s8 =	simm.s32 $0x0;
	s20 =	sshll.u32 s6, $0x1;
	s6 =	sadd.s32 s21, s4  }
0x9e: {  	[timem:s8], [sflag:s22] =	dma.local [hbm:s6], s20  }
0x9f: {  	_ =	swait.ge [sflag:s22], s20  }
0xa0: {  	s5 =	ssub.s32 $0x0, s20;
	[sflag:s22] =	ssyncset.done $0x0  }
0xa1: {  	[sflag:s22] =	ssyncadd.s32 s5;
	_ =	sdelay $0x1  }
0xa2: {  	s23 =	simm.s32 $0x1B8B  }
0xa3: {  	_ =	swait.ge [sflag:s23], $0x1  }
0xa4: {  	[sflag:s23] =	ssyncset.done $0x0  }
0xa5: {  	s25 =	simm.s32 $0x1B8E;
	s24 =	sld [smem:$0x3FFE];
	[sflag:s23] =	ssyncadd.s32 $0xFFFFFFFF  }
0xa6: {  	s26 =	simm.s32 $execute0_lowered;
	[smem:$0x3FD2] =	sst s25  }
0xa7: {  	s6 =	sshll.u32 s26, $0x1;
	_ =	strace $0x80000046;
	[dreg:$0x1] =	wrdreg $0xFFFFFFFF  }
0xa8: {  	s28 =	simm.s32 $_size_execute0_lowered;
	s4 =	sadd.s32 s4, s6;
	[dreg:$0x0] =	wrdreg $0x0  }
0xa9: {  	s6 =	sshll.u32 s28, $0x1;
	[dreg:$0x2] =	wrdreg s4  }
0xaa: {  	[dreg:$0x3] =	wrdreg s6  }
0xab: {  	[dreg:$0x4] =	wrdreg $0xC0  }
0xac: {  	_ =	task [dreg:s8], $0x5FFFF  }
0xad: {  	[dreg:$0x1] =	wrdreg $0xFFFFFFFF  }
0xae: {  	[dreg:$0x0] =	wrdreg $0x60  }
0xaf: {  	[dreg:$0x2] =	wrdreg s24  }
0xb0: {  	[dreg:$0x3] =	wrdreg s2  }
0xb1: {  	[dreg:$0x4] =	wrdreg s18  }
0xb2: {  	[dreg:$0x5] =	wrdreg $0x9  }
0xb3: {  	_ =	task.clear_ibuf [dreg:s8], $0x6FFFF;
	_ =	strace $0x90000046  }
0xb4: {  	s29 =	simm.s32 $0x9;
	_ =	strace $0x80000048  }
0xb5: {  	_ =	swait.ge [sflag:s29], $0x1  }
0xb6: {  	[sflag:s29] =	ssyncadd.s32 $0xFFFFFFFF  }
0xb7: {  	_ =	strace $0x90000048  }
0xb8: {  	_ =	sfence  }
0xb9: {  	s30 =	sld [smem:$0x0];
	_ =	sdelay $0x2  }
0xba: {  	s31 =	sshll.u32 s1, $0xD;
	s1 =	sshrl.u32 s1, $0x2  }
0xbb: {  	s3 =	sand.u32 $0x4000, s31;
	s1 =	sadd.s32 s1, s30  }
0xbc: {  	s0 =	sor.u32 s3, s0;
	s1 =	sshll.u32 s1, $0x11  }
0xbd: {  	s0 =	sor.u32 s1, s0  }
0xbe: {  	s0 =	sadd.s32 $0x8F2B, s0  }
0xbf: {  	[sflag:s0] =	ssyncadd.remote.s32 $0x1  }
0xc0: {  	_ =	sfence.sel $0xFFFF  }
0xc1: {  	[dreg:$0x0] =	wrdreg $0xFFFFFFFF;
	(pc) =	sbr.abs _section_cstart, $3  }
0xc2: {  	[dreg:$0x1] =	wrdreg $0xFFFFFFFF  }
0xc3: {  	_ =	task.clear_ibuf [dreg:s8], $0x2FFFF;
	_ =	strace $0x9FFFFFFF  }
0xc4: {  	(tm) =	ssettm $0x7FFFFFFF  }
0xc5: {  	_ =	shalt  }
tec
execute0_lowered:
.L_overlay_start_1:
0x0: {  	(tag) =	ssettag $0x1  }
0x1: {  	s0 =	srdreg.scid;
	s29 =	rddreg [dreg:$0x0]  }
0x2: {  	s5 =	stileid.u32;
	s2 =	rddreg [dreg:$0x1];
	s0 =	sand.u32 $0x1, s0  }
0x3: {  	s21 =	rddreg [dreg:$0x2];
	s1 =	sor.u32 s0, s5  }
0x4: {  	s3 =	simm.s32 $0x0;
	p1 =	seq.s32 s0, $0x1;
	p0 =	seq.s32 s1, $0x0  }
0x5: {  	s4 =	simm.s32 $0x1;
	[smem:$0x7FF] =	sst s3;
	p0 =	por !p0, !p1  }
0x6: {  	_ =	strace $0x80000047;
	s9 =	ssub.s32 $0x2, s0;
	p0 =	por !p0, !p0  }
0x7: {  	s16 =	smul.u32 $0x21000, s0;
	s11 =	sshrl.u32 s9, $0x1;
	s4 =	simm.s32 @!p0 $0x0  }
0x8: {  	s1 =	sadd.s32 $0x20600, s29;
	s14 =	ssub.s32 s9, s11;
	s6 =	ssub.s32 s5, s4  }
0x9: {  	s4 =	simm.s32 $0x1;
	s5 =	sshll.u32 s6, $0xD;
	s15 =	smul.u32 $0x10400, s6  }
0xa: {  	s30 =	sshll.u32 s6, $0x9;
	s8 =	sshll.u32 s6, $0x7;
	s6 =	smul.u32 $0x2080, s6  }
0xb: {  	s5 =	sand.u32 $0x1FFFE000, s5;
	s10 =	sand.u32 $0xFFFFF000, s30;
	s8 =	sand.u32 $0x380, s8  }
0xc: {  	s7 =	sadd.s32 s5, s29;
	s5 =	smul.u32 $0x108, s0;
	s8 =	sor.u32 s8, s10  }
0xd: {  	s15 =	sadd.s32 $0x8400, s15;
	s19 =	sadd.s32 s1, s6;
	s8 =	sshrl.u32 s8, $0x3  }
0xe: {  	s10 =	sadd.s32 $0x600, s7;
	s15 =	sshrl.u32 s15, $0x3;
	s22 =	sadd.s32 s2, s8  }
0xf: {  	s23 =	sadd.s32 $0xFFFFFFFB, s5;
	s9 =	smax.u32 s5, $0x6;
	s11 =	sadd.s32 $0xFFFFFFFC, s5  }
0x10: {  	s12 =	sadd.s32 $0xFFFFFFFD, s5;
	s24 =	sadd.s32 $0xFFFFFFFE, s5;
	s25 =	sadd.s32 s1, s15  }
0x11: {  	p0 =	sgt.s32 s23, $0x0;
	s2 =	smov.u32 s23;
	s7 =	smov.u32 s11  }
0x12: {  	s8 =	smov.u32 s12;
	s13 =	smov.u32 s24;
	s31 =	sshll.u32 s9, $0x9  }
0x13: {  	s2 =	simm.s32 @!p0 $0x0;
	p0 =	sgt.s32 s11, $0x0;
	s15 =	ssub.s32 s31, s16  }
0x14: {  	s16 =	simm.f32 $1.000000000e+00;
	s1 =	sshrl.u32 s31, $0x2;
	s7 =	simm.s32 @!p0 $0x0  }
0x15: {  	p0 =	sgt.s32 s12, $0x0;
	s2 =	sshll.u32 s2, $0x9;
	s16 =	simm.s32 @!p1 $0x0  }
0x16: {  	p1 =	sne.s32 s0, $0x0;
	s6 =	sshra.s32 s15, $0x2;
	s1 =	sadd.s32 $0xFFFFFD80, s1  }
0x17: {  	s8 =	simm.s32 @!p0 $0x0;
	p0 =	sgt.s32 s24, $0x0;
	s7 =	sshll.u32 s7, $0x9  }
0x18: {  	s6 =	sadd.s32 $0x10200, s6;
	[dreg:$0x5] =	wrdreg s1;
	s26 =	sshrl.u32 s2, $0x2  }
0x19: {  	s13 =	simm.s32 @!p0 $0x0;
	s8 =	sshll.u32 s8, $0x9;
	[dreg:$0x4] =	wrdreg s6  }
0x1a: {  	[dreg:$0x7] =	wrdreg s26;
	s17 =	sshll.u32 s13, $0x9;
	s13 =	sadd.s32 $0xFFFFFFFF, s5  }
0x1b: {  	s28 =	sshrl.u32 s7, $0x2;
	p0 =	sgt.s32 s13, $0x0;
	s18 =	smov.u32 s13  }
0x1c: {  	s18 =	simm.s32 @!p0 $0x0;
	p0 =	seq.s32 s0, $0x0;
	s0 =	smul.u32 $0xFFFDF000, s0  }
.Ltmp0:
0x1d: {  	[dreg:$0x8] =	wrdreg s28;
	s29 =	sshrl.u32 s8, $0x2;
	(pc) =	sbr.rel .LBB2_1-.Ltmp0, $4  }
0x1e: {  	[dreg:$0x9] =	wrdreg s29;
	s30 =	sshrl.u32 s17, $0x2;
	s20 =	sshll.u32 s18, $0x9  }
0x1f: {  	[dreg:$0xa] =	wrdreg s30;
	s0 =	sshra.s32 s0, $0x2;
	s31 =	sshrl.u32 s20, $0x2  }
0x20: {  	s2 =	simm.s32 $0x0;
	s1 =	sadd.s32 $0x10200, s0;
	[dreg:$0xb] =	wrdreg s31  }
0x21: {  	s26 =	sadd.s32 $0x108, s5;
	s18 =	smax.u32 s14, $0x1;
	[dreg:$0x6] =	wrdreg s1  }
.LBB2_15:
0x22: {  	v1 =	vld @!p1 [tilespmem:$0x0];
	s6 =	sadd.s32 $0x4, s28  }
0x23: {  	p2 =	slt.s32 s6, s5  }
0x24: {  	p3 =	sge.s32 @!p2 s6, s26  }
0x25: {  	p4 =	por p3, p2  }
0x26: {  	p5 =	sgt.s32 @!p4 s28, $0x0  }
0x27: {  	s7 =	sshll.u32 @!p4 s28, $0x7;
	v1 =	vadd.f32 @!p1 v1, v0;
	p3 =	por @!p2 !p5, p3  }
0x28: {  	s7 =	sadd.s32 @!p4 $0xFFFFFF80, s7;
	p2 =	por !p3, p2  }
0x29: {  	[tilespmem:$0x10200] =	vst @!p1 v1;
	s7 =	simm.s32 @!p2 $0xFF80  }
0x2a: {  	v1 =	vld @!p4 [tilespmem:s7+$0x0];
	_ =	sdelay $0x3  }
0x2b: {  	s6 =	ssub.s32 @!p4 s6, s5  }
0x2c: {  	s6 =	sshll.u32 @!p4 s6, $0x9;
	v0 =	vadd.f32 @!p4 v1, v0  }
0x2d: {  	s6 =	sshra.s32 @!p4 s6, $0x2  }
0x2e: {  	s7 =	simm.s32 @p1 $0x10200;
	[tilespmem:s6+$0x10200] =	vst @!p4 v0;
	s6 =	simm.s32 @p1 $0x0  }
0x2f: {  	[hbm4b:s25+s6] =	stream.linear.scatter @p1 [tilespmem:s7], [sflag:$0x4], $0x7E80, $0x38;
	[tilespmem:$0x18680] =	vst v63  }
0x30: {  	s6 =	simm.s32 @p1 $0x4  }
0x31: {  	s2 =	sadd.s32 $0x1, s2;
	_ =	swait.ge @p1 [sflag:s6], $0x7E80  }
0x32: {  	p2 =	sne.s32 s2, s18;
	[sflag:s6] =	ssyncset.done @p1 $0x0  }
0x33: {  	s7 =	simm.s32 @!p1 $0x10200;
	[sflag:s6] =	ssyncadd.s32 @p1 $0xFFFF8180;
	s6 =	simm.s32 @!p1 $0x0  }
0x34: {  	[hbm4b:s19+s6] =	stream.linear.scatter @!p1 [tilespmem:s7], [sflag:$0x4], $0x8400, $0x38;
	[tilespmem:$0x18680] =	vst v63  }
.Ltmp1:
0x35: {  	_ = 	snop;
	(pc) =	sbr.rel @!p2 .LBB2_16-.Ltmp1, $4  }
0x36: {  	s6 =	simm.s32 @!p1 $0x4  }
0x37: {  	_ =	swait.ge @!p1 [sflag:s6], $0x8400  }
0x38: {  	[sflag:s6] =	ssyncset.done @!p1 $0x0  }
0x39: {  	[sflag:s6] =	ssyncadd.s32 @!p1 $0xFFFF7C00  }
.LBB2_1:
0x3a: {  	[tilespmem:s3], [sflag:$0x1] =	stream.linear.gather [hbm4b:s10+s3], $0x10000, $0x38;
	[tilespmem:$0x18680] =	vst v63  }
0x3b: {  	s0 =	simm.s32 $0x80;
	s6 =	simm.s32 $0x400;
	s7 =	simm.s32 $0x10000  }
0x3c: {  	[tilespmem:s7], [sflag:$0x2] =	stream.strided.gather [hbm4b:s22+s0], $0x200, s6, s0, $0x38;
	[tilespmem:$0x18680] =	vst v63  }
0x3d: {  	s20 =	simm.s32 $0x18600;
	s30 =	simm.s32 $0x2  }
0x3e: {  	[tilespmem:s20], [sflag:$0x3] =	stream.linear.gather [hbm4b:s21+s3], $0x80, $0x38;
	[tilespmem:$0x18680] =	vst v63  }
0x3f: {  	_ =	swait.ge [sflag:s30], $0x200  }
0x40: {  	[sflag:s30] =	ssyncset.done $0x0  }
0x41: {  	[sflag:s30] =	ssyncadd.s32 $0xFFFFFE00  }
0x42: {  	v0 =	vld [tilespmem:$0x10000]  }
0x43: {  	v1 =	vld [tilespmem:$0x10010]  }
0x44: {  	v2 =	vld [tilespmem:$0x10020]  }
0x45: {  	v3 =	vld [tilespmem:$0x10030]  }
0x46: {  	v4 =	vld [tilespmem:$0x10040]  }
0x47: {  	v5 =	vld [tilespmem:$0x10050]  }
0x48: {  	v0 =	vadd.s32 v1, v0;
	v1 =	vld [tilespmem:$0x10060]  }
0x49: {  	v0 =	vadd.s32 v2, v0;
	v2 =	vld [tilespmem:$0x10070]  }
0x4a: {  	v0 =	vadd.s32 v3, v0;
	v3 =	vld [tilespmem:$0x10080]  }
0x4b: {  	v53 =	vld [tilespmem:$0x10090];
	v0 =	vadd.s32 v4, v0  }
0x4c: {  	v54 =	vld [tilespmem:$0x100A0];
	v0 =	vadd.s32 v5, v0  }
0x4d: {  	v0 =	vadd.s32 v1, v0;
	v1 =	vld [tilespmem:$0x100B0]  }
0x4e: {  	v0 =	vadd.s32 v2, v0;
	v2 =	vld [tilespmem:$0x100C0]  }
0x4f: {  	v0 =	vadd.s32 v0, v3;
	v3 =	vld [tilespmem:$0x100D0]  }
0x50: {  	v55 =	vld [tilespmem:$0x100E0];
	v0 =	vadd.s32 v53, v0  }
0x51: {  	v56 =	vld [tilespmem:$0x100F0];
	v0 =	vadd.s32 v54, v0  }
0x52: {  	v0 =	vadd.s32 v1, v0;
	v1 =	vld [tilespmem:$0x10100]  }
0x53: {  	v0 =	vadd.s32 v2, v0;
	v2 =	vld [tilespmem:$0x10110]  }
0x54: {  	v0 =	vadd.s32 v3, v0;
	v3 =	vld [tilespmem:$0x10120]  }
0x55: {  	v57 =	vld [tilespmem:$0x10130];
	v0 =	vadd.s32 v55, v0  }
0x56: {  	v58 =	vld [tilespmem:$0x10140];
	v0 =	vadd.s32 v56, v0  }
0x57: {  	v0 =	vadd.s32 v0, v1;
	v1 =	vld [tilespmem:$0x10150]  }
0x58: {  	v0 =	vadd.s32 v2, v0;
	v2 =	vld [tilespmem:$0x10160]  }
0x59: {  	v0 =	vadd.s32 v3, v0;
	v3 =	vld [tilespmem:$0x10170]  }
0x5a: {  	v59 =	vld [tilespmem:$0x10180];
	v0 =	vadd.s32 v57, v0  }
0x5b: {  	v60 =	vld [tilespmem:$0x10190];
	v0 =	vadd.s32 v58, v0  }
0x5c: {  	v0 =	vadd.s32 v1, v0;
	v1 =	vld [tilespmem:$0x101A0]  }
0x5d: {  	v0 =	vadd.s32 v2, v0;
	v2 =	vld [tilespmem:$0x101B0]  }
0x5e: {  	v0 =	vadd.s32 v3, v0;
	v3 =	vld [tilespmem:$0x101C0]  }
0x5f: {  	v61 =	vld [tilespmem:$0x101D0];
	v0 =	vadd.s32 v0, v59  }
0x60: {  	v62 =	vld [tilespmem:$0x101E0];
	v0 =	vadd.s32 v60, v0  }
0x61: {  	v0 =	vadd.s32 v1, v0;
	v1 =	vld [tilespmem:$0x101F0]  }
0x62: {  	v0 =	vadd.s32 v2, v0  }
0x63: {  	v0 =	vadd.s32 v3, v0  }
0x64: {  	v0 =	vadd.s32 v61, v0  }
0x65: {  	v0 =	vadd.s32 v62, v0  }
0x66: {  	v0 =	vadd.s32 v1, v0  }
0x67: {  	(v2sf) =	vpush v0, $0x0  }
0x68: {  	(v2sf) =	vpush v0, $0x1  }
0x69: {  	(v2sf) =	vpush v0, $0x2  }
0x6a: {  	(v2sf) =	vpush v0, $0x3  }
0x6b: {  	(v2sf) =	vpush v0, $0x4  }
0x6c: {  	(v2sf) =	vpush v0, $0x5  }
0x6d: {  	(v2sf) =	vpush v0, $0x6  }
0x6e: {  	(v2sf) =	vpush v0, $0x7  }
0x6f: {  	(v2sf) =	vpush v0, $0x8  }
0x70: {  	(v2sf) =	vpush v0, $0x9  }
0x71: {  	(v2sf) =	vpush v0, $0xA  }
0x72: {  	(v2sf) =	vpush v0, $0xB  }
0x73: {  	(v2sf) =	vpush v0, $0xC  }
0x74: {  	(v2sf) =	vpush v0, $0xD  }
0x75: {  	(v2sf) =	vpush v0, $0xE  }
0x76: {  	s31 =	spop (v2sf);
	(v2sf) =	vpush v0, $0xF  }
0x77: {  	s0 =	spop (v2sf)  }
0x78: {  	s8 =	spop (v2sf)  }
0x79: {  	s14 =	spop (v2sf)  }
0x7a: {  	s15 =	spop (v2sf)  }
0x7b: {  	s17 =	spop (v2sf)  }
0x7c: {  	s20 =	spop (v2sf)  }
0x7d: {  	s6 =	sadd.s32 s0, s31;
	s30 =	spop (v2sf)  }
0x7e: {  	s6 =	sadd.s32 s8, s6;
	s31 =	spop (v2sf)  }
0x7f: {  	s6 =	sadd.s32 s14, s6;
	s0 =	spop (v2sf)  }
0x80: {  	s6 =	sadd.s32 s15, s6;
	s15 =	spop (v2sf)  }
0x81: {  	s6 =	sadd.s32 s17, s6;
	s17 =	spop (v2sf)  }
0x82: {  	s6 =	sadd.s32 s20, s6;
	s20 =	spop (v2sf)  }
0x83: {  	s6 =	sadd.s32 s30, s6;
	s30 =	spop (v2sf)  }
0x84: {  	s6 =	sadd.s32 s31, s6;
	s31 =	spop (v2sf)  }
0x85: {  	s6 =	sadd.s32 s0, s6;
	s0 =	spop (v2sf)  }
0x86: {  	s6 =	sadd.s32 s15, s6;
	_ =	swait.ge [sflag:s4], $0x10000  }
0x87: {  	s6 =	sadd.s32 s17, s6;
	[sflag:s4] =	ssyncset.done $0x0  }
0x88: {  	s7 =	simm.s32 $0x3;
	s6 =	sadd.s32 s20, s6;
	[sflag:s4] =	ssyncadd.s32 $0xFFFF0000  }
0x89: {  	s6 =	sadd.s32 s30, s6;
	_ =	swait.ge [sflag:s7], $0x80  }
0x8a: {  	s6 =	sadd.s32 s31, s6;
	[sflag:s7] =	ssyncset.done $0x0  }
0x8b: {  	s28 =	sadd.s32 s0, s6;
	s15 =	rddreg [dreg:$0x7];
	[sflag:s7] =	ssyncadd.s32 $0xFFFFFF80  }
0x8c: {  	s29 =	sadd.s32 $0xFFFFFFFE, s28;
	v0 =	vld [tilespmem:s15+$0x0]  }
0x8d: {  	p2 =	sgt.s32 s29, $0x1;
	s17 =	rddreg [dreg:$0x8]  }
0x8e: {  	s29 =	simm.s32 @!p2 $0x1;
	v1 =	vld [tilespmem:s17+$0x0]  }
0x8f: {  	s6 =	smov.u32 s16;
	p2 =	sle.s32 s23, s29;
	s20 =	rddreg [dreg:$0x9]  }
0x90: {  	s6 =	simm.s32 @!p2 $0x0;
	v2 =	vld [tilespmem:s20+$0x0]  }
0x91: {  	s30 =	rddreg [dreg:$0xa];
	p2 =	sle.s32 s11, s29;
	v0 =	vmul.f32 s6, v0;
	s6 =	smov.u32 s16  }
0x92: {  	v3 =	vld [tilespmem:s30+$0x0];
	s6 =	simm.s32 @!p2 $0x0  }
0x93: {  	p2 =	sle.s32 s12, s29;
	v0 =	vadd.f32 $0.0e+00, v0;
	v1 =	vmul.f32 s6, v1;
	s6 =	smov.u32 s16  }
0x94: {  	s31 =	rddreg [dreg:$0xb];
	s6 =	simm.s32 @!p2 $0x0  }
0x95: {  	v63 =	vld [tilespmem:s31+$0x0];
	p2 =	sle.s32 s24, s29;
	v0 =	vadd.f32 v1, v0;
	v1 =	vmul.f32 s6, v2;
	s6 =	smov.u32 s16  }
0x96: {  	s6 =	simm.s32 @!p2 $0x0  }
0x97: {  	v0 =	vadd.f32 v1, v0;
	v1 =	vmul.f32 s6, v3  }
.Ltmp2:
0x98: {  	p2 =	sle.s32 s13, s29;
	s6 =	smov.u32 s16;
	(pc) =	sbr.rel @!p0 .LBB2_2-.Ltmp2, $3  }
0x99: {  	s6 =	simm.s32 @!p2 $0x0;
	v1 =	vadd.f32 v1, v0;
	v0 =	vld [tilespmem:$0x18600]  }
0x9a: {  	v2 =	vmul.f32 s6, v63;
	_ =	sdelay $0x1  }
0x9b: {  	s6 =	simm.s32 $0x10200;
	v1 =	vadd.f32 v2, v1  }
0x9c: {  	p2 =	por $0x0, $0x0  }
0x9d: {  	p3 =	slt.s32 s29, $0x0;
	s7 =	simm.s32 $0xFFFFFFFB;
	s8 =	simm.s32 $0x0  }
0x9e: {  	s7 =	simm.s32 @!p2 $0x1;
	s8 =	smov.u32 @p3 s29  }
0x9f: {  	v2 =	vld [tilespmem:s3+$0x0];
	s7 =	ssub.s32 s8, s7  }
0xa0: {  	s14 =	simm.f32 $5.000000000e-01;
	s7 =	sadd.s32 $0x1, s7  }
0xa1: {  	p2 =	sgt.u32 s29, $0xFFFFFFFF;
	s8 =	simm.f32 $1.000000000e+00;
	p3 =	seq.s32 s7, $0x2  }
0xa2: {  	s8 =	simm.s32 @!p2 $0x0;
	p2 =	seq.s32 s7, $0x3;
	s14 =	simm.s32 @!p3 $0x3F800000  }
0xa3: {  	s14 =	simm.s32 @p2 $0x3EAAAAAB;
	p2 =	seq.s32 s7, $0x4  }
0xa4: {  	v2 =	vmul.f32 s8, v2;
	s14 =	simm.s32 @p2 $0x3E800000;
	p2 =	seq.s32 s7, $0x5  }
0xa5: {  	s14 =	simm.s32 @p2 $0x3E4CCCCD;
	p2 =	seq.s32 s7, $0x6  }
0xa6: {  	s8 =	simm.s32 $0xFFFFFFFB;
	v1 =	vadd.f32 v2, v1;
	s14 =	simm.s32 @p2 $0x3E2AAAAB;
	p2 =	por $0x0, $0x0  }
0xa7: {  	s8 =	simm.s32 @!p2 $0x0;
	p2 =	seq.s32 s9, $0x1  }
.Ltmp3:
0xa8: {  	v2 =	vmul.f32 s14, v1;
	(pc) =	sbr.rel @p2 .LBB2_11-.Ltmp3, $4  }
0xa9: {  	_ = 	snop  }
0xaa: {  	v2 =	vadd.f32 v2, v0  }
0xab: {  	s15 =	simm.s32 $0xFFFFFFFB;
	s7 =	simm.s32 $0x1;
	s8 =	smin.u32 s8, $0x1FF  }
0xac: {  	s14 =	simm.s32 $0x0;
	s17 =	sshll.u32 s8, $0x7;
	s8 =	simm.s32 $0x0;
	[tilespmem:s6+$0x0] =	vst v2  }
.LBB2_10:
0xad: {  	s20 =	sadd.s32 $0xFFFFFFFB, s7;
	v2 =	vld [tilespmem:s17+$0x0];
	s14 =	sadd.s32 $0x80, s14;
	s17 =	smov.u32 s7  }
0xae: {  	s7 =	sadd.s32 $0x1, s7;
	p3 =	sgt.s32 s20, $0x1;
	p4 =	slt.s32 s29, s17  }
0xaf: {  	p2 =	seq.s32 s9, s7;
	s30 =	smov.u32 s20;
	s31 =	smov.u32 s17  }
0xb0: {  	s30 =	simm.s32 @!p3 $0x1;
	s31 =	smov.u32 @p4 s29;
	p3 =	sle.s32 s15, s29  }
0xb1: {  	v3 =	vld [tilespmem:s14+$0x0];
	p4 =	sgt.u32 s8, $0x5;
	s8 =	simm.f32 $1.000000000e+00;
	s15 =	ssub.s32 s31, s30  }
0xb2: {  	s8 =	simm.s32 @!p3 $0x0;
	s30 =	sadd.s32 $0xFFFFFFFF, s17;
	s31 =	sadd.s32 $0x1, s15  }
0xb3: {  	s8 =	simm.s32 @!p4 $0x0;
	p3 =	slt.u32 s30, s29;
	s15 =	smov.u32 s20  }
0xb4: {  	s20 =	simm.f32 $5.000000000e-01;
	p4 =	seq.s32 s31, $0x2;
	v2 =	vmul.f32 s8, v2;
	s8 =	simm.f32 $1.000000000e+00  }
0xb5: {  	s8 =	simm.s32 @!p3 $0x0;
	s20 =	simm.s32 @!p4 $0x3F800000;
	p3 =	seq.s32 s31, $0x3  }
0xb6: {  	v3 =	vmul.f32 s8, v3;
	s20 =	simm.s32 @p3 $0x3EAAAAAB;
	p3 =	seq.s32 s31, $0x4;
	v1 =	vsub.f32 v1, v2;
	s8 =	smov.u32 s17  }
0xb7: {  	s20 =	simm.s32 @p3 $0x3E800000;
	p3 =	seq.s32 s31, $0x5  }
0xb8: {  	v1 =	vadd.f32 v3, v1;
	s20 =	simm.s32 @p3 $0x3E4CCCCD;
	p3 =	seq.s32 s31, $0x6  }
0xb9: {  	s20 =	simm.s32 @p3 $0x3E2AAAAB  }
.Ltmp4:
0xba: {  	v2 =	vmul.f32 s20, v1;
	(pc) =	sbr.rel @!p2 .LBB2_10-.Ltmp4, $4  }
0xbb: {  	s17 =	smov.u32 s15;
	p3 =	sgt.s32 s15, $0x0  }
0xbc: {  	s17 =	simm.s32 @!p3 $0x0;
	v2 =	vadd.f32 v2, v0  }
0xbd: {  	s6 =	sadd.s32 $0x80, s6;
	s17 =	smin.u32 s17, $0x1FF  }
0xbe: {  	s17 =	sshll.u32 s17, $0x7;
	[tilespmem:s6+$0x0] =	vst v2  }
.LBB2_11:
0xbf: {  	v2 =	vld [tilespmem:s17+$0x0];
	_ =	sdelay $0x1  }
0xc0: {  	p2 =	sle.s32 s15, s29;
	s6 =	simm.f32 $1.000000000e+00  }
0xc1: {  	p3 =	sgt.u32 s8, $0x5;
	s6 =	simm.s32 @!p2 $0x0  }
0xc2: {  	s6 =	simm.s32 @!p3 $0x0  }
0xc3: {  	v2 =	vmul.f32 s6, v2;
	_ =	sdelay $0x1  }
0xc4: {  	v1 =	vsub.f32 v1, v2  }
.LBB2_2:
0xc5: {  	s7 =	sadd.s32 $0x1, s29  }
0xc6: {  	p2 =	sgt.s32 s5, s7  }
0xc7: {  	s7 =	smov.u32 @p2 s5  }
0xc8: {  	s6 =	smin.u32 s26, s7  }
0xc9: {  	p2 =	sge.u32 s9, s6  }
.Ltmp5:
0xca: {  	_ = 	snop;
	(pc) =	sbr.rel @p2 .LBB2_6-.Ltmp5, $1  }
0xcb: {  	_ =	sdelay $0x3  }
0xcc: {  	s0 =	rddreg [dreg:$0x5]  }
0xcd: {  	v2 =	vld [tilespmem:s0+$0x280];
	_ =	sdelay $0x4  }
0xce: {  	s6 =	smin.u32 s7, s26;
	v1 =	vadd.f32 v2, v1  }
0xcf: {  	s6 =	ssub.s32 s9, s6  }
0xd0: {  	s6 =	sadd.s32 $0x1, s6;
	v2 =	vmul.f32 $1.666666720e-01, v1  }
0xd1: {  	p2 =	seq.s32 s6, $0x0  }
.Ltmp6:
0xd2: {  	v2 =	vadd.f32 v2, v0;
	(pc) =	sbr.rel @p2 .LBB2_5-.Ltmp6, $4  }
0xd3: {  	s14 =	rddreg [dreg:$0x4]  }
0xd4: {  	[tilespmem:s14+$0x0] =	vst v2  }
0xd5: {  	v2 =	vld [tilespmem:s0+$0x0]  }
0xd6: {  	s8 =	sadd.s32 $0x80, s0  }
.LBB2_4:
0xd7: {  	v3 =	vld [tilespmem:s8+$0x280];
	s6 =	sadd.s32 $0x1, s6  }
0xd8: {  	p2 =	seq.s32 s6, $0x0;
	_ =	sdelay $0x1  }
0xd9: {  	v1 =	vsub.f32 v1, v2;
	_ =	sdelay $0x1  }
0xda: {  	v1 =	vadd.f32 v3, v1;
	_ =	sdelay $0x1  }
0xdb: {  	v2 =	vmul.f32 $1.666666720e-01, v1;
	_ =	sdelay $0x1  }
.Ltmp7:
0xdc: {  	v2 =	vadd.f32 v2, v0;
	(pc) =	sbr.rel @!p2 .LBB2_4-.Ltmp7, $4  }
0xdd: {  	s14 =	sadd.s32 $0x80, s14  }
0xde: {  	[tilespmem:s14+$0x0] =	vst v2  }
0xdf: {  	v2 =	vld [tilespmem:s8+$0x0]  }
0xe0: {  	s8 =	sadd.s32 $0x80, s8  }
.LBB2_5:
0xe1: {  	_ =	sdelay $0x2  }
0xe2: {  	v1 =	vsub.f32 v1, v2  }
.LBB2_6:
0xe3: {  	s6 =	sadd.s32 $0x6, s29  }
0xe4: {  	p2 =	sgt.s32 s5, s6;
	s31 =	smov.u32 s6  }
0xe5: {  	s31 =	smov.u32 @p2 s5  }
0xe6: {  	s7 =	smax.u32 s7, $0x6;
	s30 =	smin.u32 s26, s31  }
0xe7: {  	p2 =	sge.u32 s7, s30  }
.Ltmp8:
0xe8: {  	_ = 	snop;
	(pc) =	sbr.rel @p2 .LBB2_12-.Ltmp8, $1  }
0xe9: {  	_ =	sdelay $0x3  }
0xea: {  	s14 =	smin.u32 s7, s26  }
0xeb: {  	s8 =	smin.u32 s26, s7;
	s15 =	sshll.u32 s14, $0x7;
	s7 =	sadd.s32 $0x0, s14  }
0xec: {  	s17 =	sadd.s32 s15, s1;
	p2 =	slt.s32 s7, $0x1FF;
	s15 =	smov.u32 s7  }
0xed: {  	s15 =	simm.s32 @!p2 $0x1FF  }
0xee: {  	s15 =	sshll.u32 s15, $0x7  }
0xef: {  	s15 =	sand.u32 $0x3FFFFF80, s15  }
0xf0: {  	p2 =	slt.s32 s29, s8;
	v2 =	vld [tilespmem:s15+$0x0]  }
0xf1: {  	s8 =	smov.u32 @p2 s29  }
0xf2: {  	s8 =	ssub.s32 s14, s8  }
0xf3: {  	p2 =	sgt.u32 s7, s29;
	s0 =	sadd.s32 $0x0, s8;
	s8 =	simm.f32 $0.0e+00  }
0xf4: {  	s8 =	simm.s32 @!p2 $0x3F800000  }
0xf5: {  	s20 =	simm.f32 $5.000000000e-01;
	p3 =	seq.s32 s0, $0x4;
	v2 =	vmul.f32 s8, v2;
	s8 =	sadd.s32 $0x1, s7  }
0xf6: {  	p2 =	seq.s32 s0, $0x3;
	s20 =	simm.s32 @!p3 $0x3F800000;
	p3 =	slt.u32 s8, s30  }
.Ltmp9:
0xf7: {  	s20 =	simm.s32 @p2 $0x3EAAAAAB;
	p2 =	seq.s32 s0, $0x2;
	(pc) =	sbr.rel @!p3 .LBB2_8-.Ltmp9, $4  }
0xf8: {  	s20 =	simm.s32 @p2 $0x3E800000;
	p2 =	seq.s32 s0, $0x1  }
0xf9: {  	s20 =	simm.s32 @p2 $0x3E4CCCCD;
	p2 =	seq.s32 s0, $0x0;
	v1 =	vadd.f32 v2, v1  }
0xfa: {  	s20 =	simm.s32 @p2 $0x3E2AAAAB  }
0xfb: {  	p2 =	por $0x0, $0x0;
	v2 =	vmul.f32 s20, v1  }
0xfc: {  	s4 =	smov.u32 s13;
	s3 =	smov.u32 s24  }
0xfd: {  	s13 =	smov.u32 s12;
	s12 =	smov.u32 s23;
	s24 =	smov.u32 s10  }
0xfe: {  	s23 =	smov.u32 s21;
	s21 =	sadd.s32 $0x1, s14;
	s7 =	sadd.s32 $0xFFFFFFFB, s7;
	v2 =	vadd.f32 v2, v0  }
0xff: {  	p2 =	slt.s32 s21, $0x1FF;
	s20 =	smin.u32 s7, $0x1FF;
	s10 =	smov.u32 s21  }
0x100: {  	s1 =	smov.u32 s19;
	s10 =	simm.s32 @!p2 $0x1FF;
	s20 =	sshll.u32 s20, $0x7;
	[tilespmem:s17+$0x0] =	vst v2  }
0x101: {  	s19 =	smov.u32 s25;
	p2 =	slt.s32 s29, s8;
	s10 =	sshll.u32 s10, $0x7;
	v2 =	vld [tilespmem:s20+$0x0]  }
0x102: {  	s25 =	smov.u32 s22;
	s8 =	smov.u32 @p2 s29;
	s22 =	sand.u32 $0x3FFFFF80, s10  }
0x103: {  	p2 =	sgt.u32 s7, s29;
	s7 =	simm.f32 $0.0e+00;
	s8 =	ssub.s32 s14, s8;
	v3 =	vld [tilespmem:s22+$0x0]  }
0x104: {  	s7 =	simm.s32 @!p2 $0x3F800000;
	s8 =	sadd.s32 $0x1, s8  }
0x105: {  	p2 =	sgt.u32 s21, s29;
	s10 =	simm.f32 $5.000000000e-01;
	p3 =	seq.s32 s8, $0x4  }
0x106: {  	s20 =	sadd.s32 $0x1, s21;
	s10 =	simm.s32 @!p3 $0x3F800000;
	v2 =	vmul.f32 s7, v2;
	s7 =	simm.f32 $0.0e+00  }
0x107: {  	p3 =	slt.u32 s20, s30;
	s7 =	simm.s32 @!p2 $0x3F800000;
	p2 =	seq.s32 s8, $0x3  }
.Ltmp10:
0x108: {  	v3 =	vmul.f32 s7, v3;
	s10 =	simm.s32 @p2 $0x3EAAAAAB;
	p2 =	seq.s32 s8, $0x2;
	v1 =	vsub.f32 v1, v2;
	(pc) =	sbr.rel @!p3 .LBB2_18-.Ltmp10, $4  }
0x109: {  	s10 =	simm.s32 @p2 $0x3E800000;
	p2 =	seq.s32 s8, $0x1  }
0x10a: {  	v1 =	vadd.f32 v3, v1;
	s10 =	simm.s32 @p2 $0x3E4CCCCD;
	p2 =	seq.s32 s8, $0x0  }
0x10b: {  	s0 =	smov.u32 s18;
	s10 =	simm.s32 @p2 $0x3E2AAAAB  }
0x10c: {  	s7 =	smov.u32 s17;
	s8 =	simm.s32 $0x2;
	p2 =	por $0x1, $0x1;
	v2 =	vmul.f32 s10, v1  }
.LBB2_19:
0x10d: {  	s18 =	sadd.s32 $0xFFFFFFFB, s21  }
0x10e: {  	s21 =	sadd.s32 s8, s14;
	v2 =	vadd.f32 v2, v0;
	s10 =	smov.u32 s20;
	s7 =	sadd.s32 $0x80, s7  }
0x10f: {  	p3 =	slt.s32 s21, $0x1FF;
	s22 =	smin.u32 s18, $0x1FF;
	s15 =	smov.u32 s21  }
0x110: {  	s20 =	sadd.s32 $0x1, s21;
	s15 =	simm.s32 @!p3 $0x1FF;
	[tilespmem:s7+$0x0] =	vst v2;
	s22 =	sshll.u32 s22, $0x7  }
0x111: {  	p3 =	slt.u32 s20, s30;
	s15 =	sshll.u32 s15, $0x7;
	v2 =	vld [tilespmem:s22+$0x0]  }
0x112: {  	p4 =	slt.s32 s29, s10;
	s15 =	sand.u32 $0x3FFFFF80, s15  }
0x113: {  	s10 =	smov.u32 @p4 s29;
	v3 =	vld [tilespmem:s15+$0x0]  }
0x114: {  	p4 =	sgt.u32 s18, s29;
	s10 =	ssub.s32 s14, s10;
	s15 =	simm.f32 $0.0e+00  }
0x115: {  	s18 =	simm.f32 $5.000000000e-01;
	s10 =	sadd.s32 s10, s8;
	s15 =	simm.s32 @!p4 $0x3F800000  }
0x116: {  	p5 =	seq.s32 s10, $0x4;
	p4 =	sgt.u32 s21, s29;
	v2 =	vmul.f32 s15, v2;
	s15 =	simm.f32 $0.0e+00  }
0x117: {  	s18 =	simm.s32 @!p5 $0x3F800000;
	s15 =	simm.s32 @!p4 $0x3F800000;
	p4 =	seq.s32 s10, $0x3  }
0x118: {  	v3 =	vmul.f32 s15, v3;
	s18 =	simm.s32 @p4 $0x3EAAAAAB;
	p4 =	seq.s32 s10, $0x2;
	v1 =	vsub.f32 v1, v2  }
.Ltmp11:
0x119: {  	s18 =	simm.s32 @p4 $0x3E800000;
	p4 =	seq.s32 s10, $0x1;
	(pc) =	sbr.rel @p3 .LBB2_19-.Ltmp11, $4  }
0x11a: {  	v1 =	vadd.f32 v3, v1;
	s18 =	simm.s32 @p4 $0x3E4CCCCD;
	p4 =	seq.s32 s10, $0x0  }
0x11b: {  	s18 =	simm.s32 @p4 $0x3E2AAAAB  }
0x11c: {  	v2 =	vmul.f32 s18, v1  }
0x11d: {  	s8 =	sadd.s32 $0x1, s8  }
0x11e: {  	s21 =	smov.u32 s23  }
0x11f: {  	s10 =	smov.u32 s24;
	s22 =	smov.u32 s25;
	s23 =	smov.u32 s12  }
0x120: {  	s12 =	smov.u32 s13;
	s24 =	smov.u32 s3;
	s3 =	simm.s32 $0x0  }
0x121: {  	s13 =	smov.u32 s4;
	s4 =	simm.s32 $0x1;
	s25 =	smov.u32 s19  }
0x122: {  	s19 =	smov.u32 s1;
	s18 =	smov.u32 s0;
	s1 =	rddreg [dreg:$0x6]  }
.LBB2_21:
0x123: {  	v1 =	vadd.f32 v2, v0;
	s7 =	sadd.s32 @p2 $0x80, s7  }
0x124: {  	s17 =	smov.u32 @p2 s7  }
0x125: {  	[tilespmem:s17+$0x0] =	vst v1  }
.LBB2_12:
0x126: {  	p2 =	sge.s32 s6, s26  }
.Ltmp12:
0x127: {  	_ = 	snop;
	(pc) =	sbr.rel @p2 .LBB2_15-.Ltmp12, $1  }
0x128: {  	_ =	sdelay $0x3  }
0x129: {  	s7 =	sadd.s32 $0x1, s30  }
0x12a: {  	p2 =	slt.u32 s7, s26  }
.Ltmp13:
0x12b: {  	_ = 	snop;
	(pc) =	sbr.rel @!p2 .LBB2_15-.Ltmp13, $4  }
0x12c: {  	s6 =	smin.u32 s31, s26  }
0x12d: {  	s6 =	sshll.u32 s6, $0x7  }
0x12e: {  	s6 =	sadd.s32 s6, s1  }
0x12f: {  	[tilespmem:s6+$0x0] =	vst v0  }
.LBB2_14:
0x130: {  	s7 =	sadd.s32 $0x1, s7  }
0x131: {  	p2 =	slt.u32 s7, s26  }
.Ltmp14:
0x132: {  	_ = 	snop;
	(pc) =	sbr.rel @p2 .LBB2_14-.Ltmp14, $3  }
0x133: {  	_ =	sdelay $0x1  }
0x134: {  	s6 =	sadd.s32 $0x80, s6  }
0x135: {  	[tilespmem:s6+$0x0] =	vst v0  }
.Ltmp15:
0x136: {  	_ = 	snop;
	(pc) =	sbr.rel .LBB2_15-.Ltmp15, $1  }
0x137: {  	_ =	sdelay $0x3  }
.LBB2_8:
.Ltmp16:
0x138: {  	(pc) =	sbr.rel .LBB2_21-.Ltmp16, $2  }
0x139: {  	_ =	sdelay $0x2  }
0x13a: {  	s7 =	smov.u32 s17  }
.LBB2_18:
.Ltmp17:
0x13b: {  	s7 =	smov.u32 s17;
	s21 =	smov.u32 s23;
	(pc) =	sbr.rel .LBB2_21-.Ltmp17, $4  }
0x13c: {  	s10 =	smov.u32 s24;
	s22 =	smov.u32 s25;
	s23 =	smov.u32 s12  }
0x13d: {  	s12 =	smov.u32 s13;
	s24 =	smov.u32 s3;
	s3 =	simm.s32 $0x0  }
0x13e: {  	s13 =	smov.u32 s4;
	s4 =	simm.s32 $0x1;
	s25 =	smov.u32 s19  }
0x13f: {  	s19 =	smov.u32 s1;
	s18 =	smov.u32 s0;
	s1 =	rddreg [dreg:$0x6]  }
.LBB2_16:
0x140: {  	_ =	sfence.sel $0x180000  }
0x141: {  	[bflag:$0x0] =	sbarrier.arrive $0xFFFF  }
0x142: {  	_ =	strace $0x90000047  }
0x143: {  	s0 =	stileid.u32;
	[bflag:$0x2] =	sbarrier.arrive $0xFFFF  }
0x144: {  	p0 =	sne.s32 s0, $0x0;
	s0 =	rddreg [dreg:$0x3]  }
0x145: {  	s0 =	sadd.s32 @!p0 $0x100000, s0  }
0x146: {  	[sflag:s0] =	ssyncadd.tile.s32 @!p0 $0x1;
	_ =	shalt  }
.Lfunc_end2:
_tile_overlayer_lowered:
.L_overlay_start_2:
0x147: {  	(tag) =	ssettag $0x2  }
0x148: {  	s0 =	rddreg [dreg:$0x0];
	s2 =	stileid.u32  }
0x149: {  	s1 =	rddreg [dreg:$0x1];
	p0 =	sne.s32 s2, $0x0  }
0x14a: {  	s3 =	rddreg [dreg:$0x2];
	[bflag:$0x3] =	sbarrier.arrive $0xFFFF;
	s2 =	simm.s32 @!p0 $0x1C04  }
0x14b: {  	[timem:s3], [sflag:s2] =	dma.local @!p0 [hbm:s0], s1  }
0x14c: {  	s0 =	simm.s32 @!p0 $0x4  }
0x14d: {  	_ =	swait.ge @!p0 [sflag:s0], s1  }
0x14e: {  	s1 =	ssub.s32 @!p0 $0x0, s1;
	[sflag:s0] =	ssyncset.done @!p0 $0x0  }
0x14f: {  	[sflag:s0] =	ssyncadd.s32 @!p0 s1  }
0x150: {  	[bflag:$0x3] =	sbarrier.arrive $0xFFFF  }
0x151: {  	_ =	shalt  }

</sc_bundles>
